<compile_context>
chip_gen: v7x
topology: tpu7x:2x2x1
jax: 0.10.2.dev20260603
libtpu: 0.0.44.dev20260713+nightly
codegen_flags: <defaults>
</compile_context>

<pallas_src>
import functools

import jax
import jax.numpy as jnp
from jax import lax
from jax.experimental import pallas as pl
from jax.experimental.pallas import tpu as pltpu
from jax.experimental.pallas import tpu_sc as plsc

B, MO, NR, RE, SE, AE, HID = 4096, 200, 1000, 128, 128, 128, 256
NRP = 1024
NEG = -99999.0
_BD = 512
_BF = 512
_NC, _NS = 2, 16
_NW = _NC * _NS
_RPT = B // _NW
_CH = 32
_NCHUNK = _RPT // _CH
_WIN = tuple(range(0, MO - 16 + 1, 16)) + ((MO - 16),)


def _dense_body(rel_ref, qry_ref, h_ref, c_ref, remb_ref,
                wih_ref, whh_ref, bih_ref, bhh_ref, w1_ref, b1_ref,
                w2_ref, b2_ref, hout_ref, cout_ref, sall_ref):
    tdims = (((1,), (1,)), ((), ()))
    f32 = jnp.float32
    bf16 = jnp.bfloat16
    iota = lax.broadcasted_iota(jnp.int32, (_BD, NRP), 1)
    remb16 = remb_ref[...].astype(bf16)
    wih16 = wih_ref[...].astype(bf16)
    whh16 = whh_ref[...].astype(bf16)
    w116 = w1_ref[...].astype(bf16)
    w216 = w2_ref[...].astype(bf16)
    oh_prev = (rel_ref[...] == iota).astype(bf16)
    prev_action16 = jnp.dot(oh_prev, remb16,
                            preferred_element_type=f32).astype(bf16)
    gates = (lax.dot_general(prev_action16, wih16, tdims,
                             preferred_element_type=f32)
             + bih_ref[...]
             + lax.dot_general(h_ref[...].astype(bf16), whh16, tdims,
                               preferred_element_type=f32)
             + bhh_ref[...])
    i = jax.nn.sigmoid(gates[:, :SE])
    f = jax.nn.sigmoid(gates[:, SE:2 * SE])
    g = jnp.tanh(gates[:, 2 * SE:3 * SE])
    o = jax.nn.sigmoid(gates[:, 3 * SE:])
    c_new = f * c_ref[...] + i * g
    h_new = o * jnp.tanh(c_new)
    oh_q = (qry_ref[...] == iota).astype(bf16)
    qemb16 = jnp.dot(oh_q, remb16, preferred_element_type=f32).astype(bf16)
    sq16 = jnp.concatenate([h_new.astype(bf16), qemb16], axis=1)
    hidden = jnp.maximum(lax.dot_general(sq16, w116, tdims,
                                 preferred_element_type=f32) + b1_ref[...], 0.0)
    mlp = jnp.maximum(lax.dot_general(hidden.astype(bf16), w216, tdims,
                              preferred_element_type=f32) + b2_ref[...], 0.0)
    hout_ref[...] = h_new
    cout_ref[...] = c_new
    sall = lax.dot_general(mlp, remb_ref[...], tdims,
                           precision=jax.lax.Precision.HIGHEST,
                           preferred_element_type=f32)
    sall_ref[...] = sall.reshape(_BD * NRP)


def _dense_specs():
    blocked = lambda i: (i, 0)
    full = lambda i: (0, 0)
    in_specs = [
        pl.BlockSpec((_BD, 1), blocked),
        pl.BlockSpec((_BD, 1), blocked),
        pl.BlockSpec((_BD, SE), blocked),
        pl.BlockSpec((_BD, SE), blocked),
        pl.BlockSpec((NRP, RE), full),
        pl.BlockSpec((4 * SE, AE), full),
        pl.BlockSpec((4 * SE, SE), full),
        pl.BlockSpec((1, 4 * SE), full),
        pl.BlockSpec((1, 4 * SE), full),
        pl.BlockSpec((HID, SE + RE), full),
        pl.BlockSpec((1, HID), full),
        pl.BlockSpec((AE, HID), full),
        pl.BlockSpec((1, AE), full),
    ]
    out_specs = [
        pl.BlockSpec((_BD, SE), blocked),
        pl.BlockSpec((_BD, SE), blocked),
        pl.BlockSpec((_BD * NRP,), lambda i: (i,)),
    ]
    out_shape = [
        jax.ShapeDtypeStruct((B, SE), jnp.float32),
        jax.ShapeDtypeStruct((B, SE), jnp.float32),
        jax.ShapeDtypeStruct((B * NRP,), jnp.float32),
    ]
    return dict(grid=(B // _BD,), in_specs=in_specs, out_specs=out_specs,
                out_shape=out_shape)


def _dense(*args):
    sp = _dense_specs()
    return pl.pallas_call(_dense_body, grid=sp["grid"], in_specs=sp["in_specs"],
                          out_specs=sp["out_specs"], out_shape=sp["out_shape"])(*args)


def _sc_gather(sall, aid):
    mesh = plsc.VectorSubcoreMesh(core_axis_name="c", subcore_axis_name="s")

    @functools.partial(
        pl.kernel, mesh=mesh,
        compiler_params=pltpu.CompilerParams(needs_layout_passes=False),
        out_type=jax.ShapeDtypeStruct((B * MO,), jnp.float32),
        scratch_types=[
            [pltpu.VMEM((_CH * NRP,), jnp.float32) for _ in range(2)],
            [pltpu.VMEM((_CH * MO,), jnp.int32) for _ in range(2)],
            [pltpu.VMEM((_CH * MO,), jnp.float32) for _ in range(2)],
            [pltpu.SemaphoreType.DMA for _ in range(6)],
        ],
    )
    def k(sall_hbm, aid_hbm, sg_hbm, sc_v, idx_v, ogs_v, sems):
        wid = lax.axis_index("s") * _NC + lax.axis_index("c")
        base = wid * _RPT

        def start_in(ci):
            bb = ci % 2
            row0 = base + ci * _CH
            h1 = pltpu.async_copy(
                sall_hbm.at[pl.ds(row0 * NRP, _CH * NRP)], sc_v[bb], sems[bb])
            h2 = pltpu.async_copy(
                aid_hbm.at[pl.ds(row0 * MO, _CH * MO)], idx_v[bb],
                sems[2 + bb])
            return h1, h2

        pending = {0: start_in(0)}
        out_pending = {}
        for ci in range(_NCHUNK):
            bb = ci % 2
            if ci + 1 < _NCHUNK:
                pending[ci + 1] = start_in(ci + 1)
            for h in pending.pop(ci):
                h.wait()
            if ci - 2 in out_pending:
                out_pending.pop(ci - 2).wait()

            def row(r, carry, _bb=bb):
                for w in _WIN:
                    aidv = idx_v[_bb][pl.ds(r * MO + w, 16)]
                    vals = plsc.load_gather(sc_v[_bb], [aidv + r * NRP])
                    ogs_v[_bb][pl.ds(r * MO + w, 16)] = vals
                return carry

            lax.fori_loop(0, _CH, row, 0)
            row0 = base + ci * _CH
            out_pending[ci] = pltpu.async_copy(
                ogs_v[bb], sg_hbm.at[pl.ds(row0 * MO, _CH * MO)], sems[4 + bb])
        for h in out_pending.values():
            h.wait()

    sg = k(sall, aid.reshape(B * MO))
    return sg.reshape(B, MO)


def _fin_body(sg_ref, aid_ref, g_ref, loss_ref, logits_ref, act_ref, chosen_ref):
    sg = sg_ref[...]
    aid = aid_ref[...]
    masked = jnp.where(aid == 0, NEG, sg)
    y = masked + g_ref[...]
    lane = lax.broadcasted_iota(jnp.int32, (_BF, MO), 1)
    ymax = jnp.max(y, axis=1, keepdims=True)
    amax = jnp.min(jnp.where(y == ymax, lane, MO), axis=1, keepdims=True)
    mmax = jnp.max(masked, axis=1, keepdims=True)
    sh = masked - mmax
    lse = jnp.log(jnp.sum(jnp.exp(sh), axis=1, keepdims=True))
    logits = sh - lse
    sel = lane == amax
    loss_ref[...] = -jnp.sum(jnp.where(sel, logits, 0.0), axis=1, keepdims=True)
    logits_ref[...] = logits
    act_ref[...] = amax
    chosen_ref[...] = jnp.sum(jnp.where(sel, aid, 0), axis=1, keepdims=True)


def _fin_specs():
    blocked = lambda i: (i, 0)
    in_specs = [
        pl.BlockSpec((_BF, MO), blocked),
        pl.BlockSpec((_BF, MO), blocked),
        pl.BlockSpec((_BF, MO), blocked),
    ]
    out_specs = [
        pl.BlockSpec((_BF, 1), blocked),
        pl.BlockSpec((_BF, MO), blocked),
        pl.BlockSpec((_BF, 1), blocked),
        pl.BlockSpec((_BF, 1), blocked),
    ]
    out_shape = [
        jax.ShapeDtypeStruct((B, 1), jnp.float32),
        jax.ShapeDtypeStruct((B, MO), jnp.float32),
        jax.ShapeDtypeStruct((B, 1), jnp.int32),
        jax.ShapeDtypeStruct((B, 1), jnp.int32),
    ]
    return dict(grid=(B // _BF,), in_specs=in_specs, out_specs=out_specs,
                out_shape=out_shape)


def _finalize(sg, aid, g):
    sp = _fin_specs()
    return pl.pallas_call(_fin_body, grid=sp["grid"], in_specs=sp["in_specs"],
                          out_specs=sp["out_specs"], out_shape=sp["out_shape"])(
                              sg, aid, g)


def kernel(prev_state_h, prev_state_c, prev_relation, queries, actions_id,
           rel_emb, W_ih, W_hh, b_ih, b_hh, W1, b1, W2, b2):
    remb_pad = jnp.pad(rel_emb, ((0, NRP - NR), (0, 0)))
    g = jax.random.gumbel(jax.random.key(42), (B, MO), jnp.float32)
    rel2 = prev_relation.astype(jnp.int32).reshape(B, 1)
    qry2 = queries.astype(jnp.int32).reshape(B, 1)
    h_new, c_new, sall = _dense(
        rel2, qry2, prev_state_h, prev_state_c, remb_pad,
        W_ih, W_hh,
        b_ih.reshape(1, -1), b_hh.reshape(1, -1),
        W1, b1.reshape(1, -1),
        W2, b2.reshape(1, -1))
    aid = actions_id[:, :, 0].astype(jnp.int32)
    sg = _sc_gather(sall, aid)
    loss, logits, act, chosen = _finalize(sg, aid, g)
    return (loss.reshape(B), logits, act.reshape(B), chosen.reshape(B),
            h_new, c_new)

# --- scband reference (transcript-rebuilt; emitter-appended) ---
"""Pipeline reference for scband-agent-3246995275897 (READ-ONLY COPY).

The authoritative reference and input builder live on the scoring server;
editing this copy changes nothing except your own understanding.
"""

import jax, jax.numpy as jnp
import numpy as np

PAD_ID = 0
B, MO, NR, RE, SE, AE, HID = 4096, 200, 1000, 128, 128, 128, 256


def setup_inputs(seed: int = 0) -> dict:
    key = jax.random.key(seed)
    ks = jax.random.split(key, 16)
    inp = {}
    inp['prev_state_h'] = jax.random.normal(ks[0], (B, SE), dtype=jnp.float32)
    inp['prev_state_c'] = jax.random.normal(ks[1], (B, SE), dtype=jnp.float32)
    inp['prev_relation'] = jax.random.randint(ks[2], (B,), 0, NR)
    inp['queries'] = jax.random.randint(ks[3], (B,), 0, NR)
    inp['actions_id'] = jax.random.randint(ks[4], (B, MO, 2), 0, NR)
    # learned parameters
    inp['rel_emb'] = jax.random.normal(ks[5], (NR, RE), dtype=jnp.float32) * (1.0 / np.sqrt(RE))
    # LSTMCell: input_size = action_embed_size (=RE), hidden_size = SE
    inp['W_ih'] = jax.random.normal(ks[6], (4 * SE, AE), dtype=jnp.float32) * 0.05
    inp['W_hh'] = jax.random.normal(ks[7], (4 * SE, SE), dtype=jnp.float32) * 0.05
    inp['b_ih'] = jnp.zeros((4 * SE,), dtype=jnp.float32)
    inp['b_hh'] = jnp.zeros((4 * SE,), dtype=jnp.float32)
    # Policy_mlp: l1 (SE+RE -> HID), l2 (HID -> AE)
    inp['W1'] = jax.random.normal(ks[8], (HID, SE + RE), dtype=jnp.float32) * 0.05
    inp['b1'] = jnp.zeros((HID,), dtype=jnp.float32)
    inp['W2'] = jax.random.normal(ks[9], (AE, HID), dtype=jnp.float32) * 0.05
    inp['b2'] = jnp.zeros((AE,), dtype=jnp.float32)
    return inp


def reference(prev_state_h, prev_state_c, prev_relation, queries, actions_id,
              rel_emb, W_ih, W_hh, b_ih, b_hh, W1, b1, W2, b2):
    # prev_action_embedding = relation_embedding(prev_relation)
    prev_action = jnp.take(rel_emb, prev_relation, axis=0)
    # Policy_step: LSTMCell
    gates = prev_action @ W_ih.T + b_ih + prev_state_h @ W_hh.T + b_hh
    i, f, g, o = jnp.split(gates, 4, axis=-1)
    i = jax.nn.sigmoid(i)
    f = jax.nn.sigmoid(f)
    g = jnp.tanh(g)
    o = jax.nn.sigmoid(o)
    c_new = f * prev_state_c + i * g
    h_new = o * jnp.tanh(c_new)
    # candidate actions (graph.get_out output is provided as input tensor)
    out_relations_id = actions_id[:, :, 0]
    action = jnp.take(rel_emb, out_relations_id, axis=0)  # [B, MO, RE]
    queries_emb = jnp.take(rel_emb, queries, axis=0)
    state_query = jnp.concatenate([h_new, queries_emb], axis=-1)
    # Policy_mlp
    hidden = jax.nn.relu(state_query @ W1.T + b1)
    mlp_out = jax.nn.relu(hidden @ W2.T + b2)[:, None, :]  # unsqueeze(1)
    prelim_scores = jnp.sum(mlp_out * action, axis=-1)  # [B, MO]
    mask = out_relations_id == PAD_ID
    dummy_scores = jnp.full_like(prelim_scores, -99999.0)
    scores = jnp.where(mask, dummy_scores, prelim_scores)
    # multinomial sampling over softmax(scores)
    action_id = jax.random.categorical(jax.random.key(42), scores, axis=1)  # [B]
    chosen_relation = jnp.take_along_axis(out_relations_id, action_id[:, None], axis=1).squeeze(1)
    logits = jax.nn.log_softmax(scores, axis=1)
    one_hot = jax.nn.one_hot(action_id, scores.shape[1], dtype=logits.dtype)
    loss = -jnp.sum(logits * one_hot, axis=1)
    return (loss, logits, action_id, chosen_relation, h_new, c_new)

if __name__ == "__main__":
    import jax
    _d = setup_inputs()
    print(jax.jit(kernel)(*tuple(_d.values())))

</pallas_src>

<mosaic_0001>
#map = affine_map<(d0, d1) -> (0)>
module attributes {stable_mosaic.version = 14 : i64} {
  func.func @k(%arg0: i32, %arg1: i32, %arg2: memref<4194304xf32, #tpu.memory_space<hbm>>, %arg3: memref<819200xi32, #tpu.memory_space<hbm>>, %arg4: memref<819200xf32, #tpu.memory_space<hbm>>, %arg5: memref<32768xf32, #tpu.memory_space<vmem>>, %arg6: memref<32768xf32, #tpu.memory_space<vmem>>, %arg7: memref<6400xi32, #tpu.memory_space<vmem>>, %arg8: memref<6400xi32, #tpu.memory_space<vmem>>, %arg9: memref<6400xf32, #tpu.memory_space<vmem>>, %arg10: memref<6400xf32, #tpu.memory_space<vmem>>, %arg11: memref<!tpu.dma_semaphore, #tpu.memory_space<semaphore_mem>>, %arg12: memref<!tpu.dma_semaphore, #tpu.memory_space<semaphore_mem>>, %arg13: memref<!tpu.dma_semaphore, #tpu.memory_space<semaphore_mem>>, %arg14: memref<!tpu.dma_semaphore, #tpu.memory_space<semaphore_mem>>, %arg15: memref<!tpu.dma_semaphore, #tpu.memory_space<semaphore_mem>>, %arg16: memref<!tpu.dma_semaphore, #tpu.memory_space<semaphore_mem>>) attributes {dimension_semantics = [#tpu.dimension_semantics<core_parallel>, #tpu.dimension_semantics<subcore_parallel>], iteration_bounds = array<i64: 2, 16>, scalar_prefetch = 0 : i64, scratch_operands = 12 : i64, tpu.core_type = #tpu.core_type<sc_vector_subcore>, window_params = [{transform_indices = #map}, {transform_indices = #map}, {transform_indices = #map}]} {
    %mul3A = arith.constant 2 : i32
    %mul3A_0 = arith.muli %arg1, %mul3A : i32
    %add3A = arith.addi %mul3A_0, %arg0 : i32
    %mul3A_1 = arith.constant 128 : i32
    %mul3A_2 = arith.muli %add3A, %mul3A_1 : i32
    %add3A_3 = arith.constant 0 : i32
    %add3A_4 = arith.addi %mul3A_2, %add3A_3 : i32
    %mul3A_5 = arith.constant 1024 : i32
    %mul3A_6 = arith.muli %add3A_4, %mul3A_5 : i32
    %dma_start3A = tpu.memref_slice %arg2[%mul3A_6] : memref<4194304xf32, #tpu.memory_space<hbm>> -> memref<32768xf32, #tpu.memory_space<hbm>>
    %dma_start3A_7 = tpu.memref_slice %arg2[%mul3A_6] : memref<4194304xf32, #tpu.memory_space<hbm>> -> memref<32768xf32, #tpu.memory_space<hbm>>
    tpu.enqueue_dma source(%dma_start3A_7 : memref<32768xf32, #tpu.memory_space<hbm>>) target(%arg5 : memref<32768xf32, #tpu.memory_space<vmem>>) target_semaphore(%arg11 : memref<!tpu.dma_semaphore, #tpu.memory_space<semaphore_mem>>)
    %mul3A_8 = arith.constant 200 : i32
    %mul3A_9 = arith.muli %add3A_4, %mul3A_8 : i32
    %dma_start3A_10 = tpu.memref_slice %arg3[%mul3A_9] : memref<819200xi32, #tpu.memory_space<hbm>> -> memref<6400xi32, #tpu.memory_space<hbm>>
    %dma_start3A_11 = tpu.memref_slice %arg3[%mul3A_9] : memref<819200xi32, #tpu.memory_space<hbm>> -> memref<6400xi32, #tpu.memory_space<hbm>>
    tpu.enqueue_dma source(%dma_start3A_11 : memref<6400xi32, #tpu.memory_space<hbm>>) target(%arg7 : memref<6400xi32, #tpu.memory_space<vmem>>) target_semaphore(%arg13 : memref<!tpu.dma_semaphore, #tpu.memory_space<semaphore_mem>>)
    %add3A_12 = arith.constant 32 : i32
    %add3A_13 = arith.addi %mul3A_2, %add3A_12 : i32
    %mul3A_14 = arith.constant 1024 : i32
    %mul3A_15 = arith.muli %add3A_13, %mul3A_14 : i32
    %dma_start3A_16 = tpu.memref_slice %arg2[%mul3A_15] : memref<4194304xf32, #tpu.memory_space<hbm>> -> memref<32768xf32, #tpu.memory_space<hbm>>
    %dma_start3A_17 = tpu.memref_slice %arg2[%mul3A_15] : memref<4194304xf32, #tpu.memory_space<hbm>> -> memref<32768xf32, #tpu.memory_space<hbm>>
    tpu.enqueue_dma source(%dma_start3A_17 : memref<32768xf32, #tpu.memory_space<hbm>>) target(%arg6 : memref<32768xf32, #tpu.memory_space<vmem>>) target_semaphore(%arg12 : memref<!tpu.dma_semaphore, #tpu.memory_space<semaphore_mem>>)
    %mul3A_18 = arith.constant 200 : i32
    %mul3A_19 = arith.muli %add3A_13, %mul3A_18 : i32
    %dma_start3A_20 = tpu.memref_slice %arg3[%mul3A_19] : memref<819200xi32, #tpu.memory_space<hbm>> -> memref<6400xi32, #tpu.memory_space<hbm>>
    %dma_start3A_21 = tpu.memref_slice %arg3[%mul3A_19] : memref<819200xi32, #tpu.memory_space<hbm>> -> memref<6400xi32, #tpu.memory_space<hbm>>
    tpu.enqueue_dma source(%dma_start3A_21 : memref<6400xi32, #tpu.memory_space<hbm>>) target(%arg8 : memref<6400xi32, #tpu.memory_space<vmem>>) target_semaphore(%arg14 : memref<!tpu.dma_semaphore, #tpu.memory_space<semaphore_mem>>)
    %dma_wait3A = tpu.memref_slice %arg2[%mul3A_6] : memref<4194304xf32, #tpu.memory_space<hbm>> -> memref<32768xf32, #tpu.memory_space<hbm>>
    %dma_wait3A_22 = tpu.memref_slice %arg2[%mul3A_6] : memref<4194304xf32, #tpu.memory_space<hbm>> -> memref<32768xf32, #tpu.memory_space<hbm>>
    tpu.wait_dma2 semaphore(%arg11 : memref<!tpu.dma_semaphore, #tpu.memory_space<semaphore_mem>>) src(%dma_wait3A_22 : memref<32768xf32, #tpu.memory_space<hbm>>) dst(%arg5 : memref<32768xf32, #tpu.memory_space<vmem>>)
    %dma_wait3A_23 = tpu.memref_slice %arg3[%mul3A_9] : memref<819200xi32, #tpu.memory_space<hbm>> -> memref<6400xi32, #tpu.memory_space<hbm>>
    %dma_wait3A_24 = tpu.memref_slice %arg3[%mul3A_9] : memref<819200xi32, #tpu.memory_space<hbm>> -> memref<6400xi32, #tpu.memory_space<hbm>>
    tpu.wait_dma2 semaphore(%arg13 : memref<!tpu.dma_semaphore, #tpu.memory_space<semaphore_mem>>) src(%dma_wait3A_24 : memref<6400xi32, #tpu.memory_space<hbm>>) dst(%arg7 : memref<6400xi32, #tpu.memory_space<vmem>>)
    %scan3A = arith.constant 0 : i32
    %scan3A_25 = arith.constant 0 : i32
    %scan3A_26 = arith.constant 32 : i32
    %scan3A_27 = arith.addi %scan3A_25, %scan3A_26 : i32
    %scan3A_28 = arith.constant 1 : i32
    scf.for %scan3A_112 = %scan3A_25 to %scan3A_27 step %scan3A_28  : i32 {
      %mul3A_113 = arith.constant 200 : i32
      %mul3A_114 = arith.muli %scan3A_112, %mul3A_113 : i32
      %add3A_115 = arith.constant 0 : i32
      %add3A_116 = arith.addi %mul3A_114, %add3A_115 : i32
      %get3A = arith.index_cast %add3A_116 : i32 to index
      %get3A_117 = tpu.vector_load %arg7[%get3A] {strides = array<i32>} : memref<6400xi32, #tpu.memory_space<vmem>>, vector<16xi32>,
      %mul3A_118 = arith.constant 1024 : i32
      %mul3A_119 = arith.muli %scan3A_112, %mul3A_118 : i32
      %add3A_120 = vector.broadcast %mul3A_119 : i32 to vector<16xi32>
      %add3A_121 = arith.addi %get3A_117, %add3A_120 : vector<16xi32>
      %gather3A = tpu.vector_load_idx %arg5[%add3A_121] : memref<32768xf32, #tpu.memory_space<vmem>>[vector<16xi32>], vector<16xf32>,
      %mul3A_122 = arith.constant 200 : i32
      %mul3A_123 = arith.muli %scan3A_112, %mul3A_122 : i32
      %add3A_124 = arith.constant 0 : i32
      %add3A_125 = arith.addi %mul3A_123, %add3A_124 : i32
      %swap3A = arith.index_cast %add3A_125 : i32 to index
      %swap3A_126 = tpu.vector_load %arg9[%swap3A] {strides = array<i32>} : memref<6400xf32, #tpu.memory_space<vmem>>, vector<16xf32>,
      tpu.vector_store %arg9[%swap3A], %gather3A {strides = array<i32>} : memref<6400xf32, #tpu.memory_space<vmem>>, vector<16xf32>,
      %mul3A_127 = arith.constant 200 : i32
      %mul3A_128 = arith.muli %scan3A_112, %mul3A_127 : i32
      %add3A_129 = arith.constant 16 : i32
      %add3A_130 = arith.addi %mul3A_128, %add3A_129 : i32
      %get3A_131 = arith.index_cast %add3A_130 : i32 to index
      %get3A_132 = tpu.vector_load %arg7[%get3A_131] {strides = array<i32>} : memref<6400xi32, #tpu.memory_space<vmem>>, vector<16xi32>,
      %mul3A_133 = arith.constant 1024 : i32
      %mul3A_134 = arith.muli %scan3A_112, %mul3A_133 : i32
      %add3A_135 = vector.broadcast %mul3A_134 : i32 to vector<16xi32>
      %add3A_136 = arith.addi %get3A_132, %add3A_135 : vector<16xi32>
      %gather3A_137 = tpu.vector_load_idx %arg5[%add3A_136] : memref<32768xf32, #tpu.memory_space<vmem>>[vector<16xi32>], vector<16xf32>,
      %mul3A_138 = arith.constant 200 : i32
      %mul3A_139 = arith.muli %scan3A_112, %mul3A_138 : i32
      %add3A_140 = arith.constant 16 : i32
      %add3A_141 = arith.addi %mul3A_139, %add3A_140 : i32
      %swap3A_142 = arith.index_cast %add3A_141 : i32 to index
      %swap3A_143 = tpu.vector_load %arg9[%swap3A_142] {strides = array<i32>} : memref<6400xf32, #tpu.memory_space<vmem>>, vector<16xf32>,
      tpu.vector_store %arg9[%swap3A_142], %gather3A_137 {strides = array<i32>} : memref<6400xf32, #tpu.memory_space<vmem>>, vector<16xf32>,
      %mul3A_144 = arith.constant 200 : i32
      %mul3A_145 = arith.muli %scan3A_112, %mul3A_144 : i32
      %add3A_146 = arith.constant 32 : i32
      %add3A_147 = arith.addi %mul3A_145, %add3A_146 : i32
      %get3A_148 = arith.index_cast %add3A_147 : i32 to index
      %get3A_149 = tpu.vector_load %arg7[%get3A_148] {strides = array<i32>} : memref<6400xi32, #tpu.memory_space<vmem>>, vector<16xi32>,
      %mul3A_150 = arith.constant 1024 : i32
      %mul3A_151 = arith.muli %scan3A_112, %mul3A_150 : i32
      %add3A_152 = vector.broadcast %mul3A_151 : i32 to vector<16xi32>
      %add3A_153 = arith.addi %get3A_149, %add3A_152 : vector<16xi32>
      %gather3A_154 = tpu.vector_load_idx %arg5[%add3A_153] : memref<32768xf32, #tpu.memory_space<vmem>>[vector<16xi32>], vector<16xf32>,
      %mul3A_155 = arith.constant 200 : i32
      %mul3A_156 = arith.muli %scan3A_112, %mul3A_155 : i32
      %add3A_157 = arith.constant 32 : i32
      %add3A_158 = arith.addi %mul3A_156, %add3A_157 : i32
      %swap3A_159 = arith.index_cast %add3A_158 : i32 to index
      %swap3A_160 = tpu.vector_load %arg9[%swap3A_159] {strides = array<i32>} : memref<6400xf32, #tpu.memory_space<vmem>>, vector<16xf32>,
      tpu.vector_store %arg9[%swap3A_159], %gather3A_154 {strides = array<i32>} : memref<6400xf32, #tpu.memory_space<vmem>>, vector<16xf32>,
      %mul3A_161 = arith.constant 200 : i32
      %mul3A_162 = arith.muli %scan3A_112, %mul3A_161 : i32
      %add3A_163 = arith.constant 48 : i32
      %add3A_164 = arith.addi %mul3A_162, %add3A_163 : i32
      %get3A_165 = arith.index_cast %add3A_164 : i32 to index
      %get3A_166 = tpu.vector_load %arg7[%get3A_165] {strides = array<i32>} : memref<6400xi32, #tpu.memory_space<vmem>>, vector<16xi32>,
      %mul3A_167 = arith.constant 1024 : i32
      %mul3A_168 = arith.muli %scan3A_112, %mul3A_167 : i32
      %add3A_169 = vector.broadcast %mul3A_168 : i32 to vector<16xi32>
      %add3A_170 = arith.addi %get3A_166, %add3A_169 : vector<16xi32>
      %gather3A_171 = tpu.vector_load_idx %arg5[%add3A_170] : memref<32768xf32, #tpu.memory_space<vmem>>[vector<16xi32>], vector<16xf32>,
      %mul3A_172 = arith.constant 200 : i32
      %mul3A_173 = arith.muli %scan3A_112, %mul3A_172 : i32
      %add3A_174 = arith.constant 48 : i32
      %add3A_175 = arith.addi %mul3A_173, %add3A_174 : i32
      %swap3A_176 = arith.index_cast %add3A_175 : i32 to index
      %swap3A_177 = tpu.vector_load %arg9[%swap3A_176] {strides = array<i32>} : memref<6400xf32, #tpu.memory_space<vmem>>, vector<16xf32>,
      tpu.vector_store %arg9[%swap3A_176], %gather3A_171 {strides = array<i32>} : memref<6400xf32, #tpu.memory_space<vmem>>, vector<16xf32>,
      %mul3A_178 = arith.constant 200 : i32
      %mul3A_179 = arith.muli %scan3A_112, %mul3A_178 : i32
      %add3A_180 = arith.constant 64 : i32
      %add3A_181 = arith.addi %mul3A_179, %add3A_180 : i32
      %get3A_182 = arith.index_cast %add3A_181 : i32 to index
      %get3A_183 = tpu.vector_load %arg7[%get3A_182] {strides = array<i32>} : memref<6400xi32, #tpu.memory_space<vmem>>, vector<16xi32>,
      %mul3A_184 = arith.constant 1024 : i32
      %mul3A_185 = arith.muli %scan3A_112, %mul3A_184 : i32
      %add3A_186 = vector.broadcast %mul3A_185 : i32 to vector<16xi32>
      %add3A_187 = arith.addi %get3A_183, %add3A_186 : vector<16xi32>
      %gather3A_188 = tpu.vector_load_idx %arg5[%add3A_187] : memref<32768xf32, #tpu.memory_space<vmem>>[vector<16xi32>], vector<16xf32>,
      %mul3A_189 = arith.constant 200 : i32
      %mul3A_190 = arith.muli %scan3A_112, %mul3A_189 : i32
      %add3A_191 = arith.constant 64 : i32
      %add3A_192 = arith.addi %mul3A_190, %add3A_191 : i32
      %swap3A_193 = arith.index_cast %add3A_192 : i32 to index
      %swap3A_194 = tpu.vector_load %arg9[%swap3A_193] {strides = array<i32>} : memref<6400xf32, #tpu.memory_space<vmem>>, vector<16xf32>,
      tpu.vector_store %arg9[%swap3A_193], %gather3A_188 {strides = array<i32>} : memref<6400xf32, #tpu.memory_space<vmem>>, vector<16xf32>,
      %mul3A_195 = arith.constant 200 : i32
      %mul3A_196 = arith.muli %scan3A_112, %mul3A_195 : i32
      %add3A_197 = arith.constant 80 : i32
      %add3A_198 = arith.addi %mul3A_196, %add3A_197 : i32
      %get3A_199 = arith.index_cast %add3A_198 : i32 to index
      %get3A_200 = tpu.vector_load %arg7[%get3A_199] {strides = array<i32>} : memref<6400xi32, #tpu.memory_space<vmem>>, vector<16xi32>,
      %mul3A_201 = arith.constant 1024 : i32
      %mul3A_202 = arith.muli %scan3A_112, %mul3A_201 : i32
      %add3A_203 = vector.broadcast %mul3A_202 : i32 to vector<16xi32>
      %add3A_204 = arith.addi %get3A_200, %add3A_203 : vector<16xi32>
      %gather3A_205 = tpu.vector_load_idx %arg5[%add3A_204] : memref<32768xf32, #tpu.memory_space<vmem>>[vector<16xi32>], vector<16xf32>,
      %mul3A_206 = arith.constant 200 : i32
      %mul3A_207 = arith.muli %scan3A_112, %mul3A_206 : i32
      %add3A_208 = arith.constant 80 : i32
      %add3A_209 = arith.addi %mul3A_207, %add3A_208 : i32
      %swap3A_210 = arith.index_cast %add3A_209 : i32 to index
      %swap3A_211 = tpu.vector_load %arg9[%swap3A_210] {strides = array<i32>} : memref<6400xf32, #tpu.memory_space<vmem>>, vector<16xf32>,
      tpu.vector_store %arg9[%swap3A_210], %gather3A_205 {strides = array<i32>} : memref<6400xf32, #tpu.memory_space<vmem>>, vector<16xf32>,
      %mul3A_212 = arith.constant 200 : i32
      %mul3A_213 = arith.muli %scan3A_112, %mul3A_212 : i32
      %add3A_214 = arith.constant 96 : i32
      %add3A_215 = arith.addi %mul3A_213, %add3A_214 : i32
      %get3A_216 = arith.index_cast %add3A_215 : i32 to index
      %get3A_217 = tpu.vector_load %arg7[%get3A_216] {strides = array<i32>} : memref<6400xi32, #tpu.memory_space<vmem>>, vector<16xi32>,
      %mul3A_218 = arith.constant 1024 : i32
      %mul3A_219 = arith.muli %scan3A_112, %mul3A_218 : i32
      %add3A_220 = vector.broadcast %mul3A_219 : i32 to vector<16xi32>
      %add3A_221 = arith.addi %get3A_217, %add3A_220 : vector<16xi32>
      %gather3A_222 = tpu.vector_load_idx %arg5[%add3A_221] : memref<32768xf32, #tpu.memory_space<vmem>>[vector<16xi32>], vector<16xf32>,
      %mul3A_223 = arith.constant 200 : i32
      %mul3A_224 = arith.muli %scan3A_112, %mul3A_223 : i32
      %add3A_225 = arith.constant 96 : i32
      %add3A_226 = arith.addi %mul3A_224, %add3A_225 : i32
      %swap3A_227 = arith.index_cast %add3A_226 : i32 to index
      %swap3A_228 = tpu.vector_load %arg9[%swap3A_227] {strides = array<i32>} : memref<6400xf32, #tpu.memory_space<vmem>>, vector<16xf32>,
      tpu.vector_store %arg9[%swap3A_227], %gather3A_222 {strides = array<i32>} : memref<6400xf32, #tpu.memory_space<vmem>>, vector<16xf32>,
      %mul3A_229 = arith.constant 200 : i32
      %mul3A_230 = arith.muli %scan3A_112, %mul3A_229 : i32
      %add3A_231 = arith.constant 112 : i32
      %add3A_232 = arith.addi %mul3A_230, %add3A_231 : i32
      %get3A_233 = arith.index_cast %add3A_232 : i32 to index
      %get3A_234 = tpu.vector_load %arg7[%get3A_233] {strides = array<i32>} : memref<6400xi32, #tpu.memory_space<vmem>>, vector<16xi32>,
      %mul3A_235 = arith.constant 1024 : i32
      %mul3A_236 = arith.muli %scan3A_112, %mul3A_235 : i32
      %add3A_237 = vector.broadcast %mul3A_236 : i32 to vector<16xi32>
      %add3A_238 = arith.addi %get3A_234, %add3A_237 : vector<16xi32>
      %gather3A_239 = tpu.vector_load_idx %arg5[%add3A_238] : memref<32768xf32, #tpu.memory_space<vmem>>[vector<16xi32>], vector<16xf32>,
      %mul3A_240 = arith.constant 200 : i32
      %mul3A_241 = arith.muli %scan3A_112, %mul3A_240 : i32
      %add3A_242 = arith.constant 112 : i32
      %add3A_243 = arith.addi %mul3A_241, %add3A_242 : i32
      %swap3A_244 = arith.index_cast %add3A_243 : i32 to index
      %swap3A_245 = tpu.vector_load %arg9[%swap3A_244] {strides = array<i32>} : memref<6400xf32, #tpu.memory_space<vmem>>, vector<16xf32>,
      tpu.vector_store %arg9[%swap3A_244], %gather3A_239 {strides = array<i32>} : memref<6400xf32, #tpu.memory_space<vmem>>, vector<16xf32>,
      %mul3A_246 = arith.constant 200 : i32
      %mul3A_247 = arith.muli %scan3A_112, %mul3A_246 : i32
      %add3A_248 = arith.constant 128 : i32
      %add3A_249 = arith.addi %mul3A_247, %add3A_248 : i32
      %get3A_250 = arith.index_cast %add3A_249 : i32 to index
      %get3A_251 = tpu.vector_load %arg7[%get3A_250] {strides = array<i32>} : memref<6400xi32, #tpu.memory_space<vmem>>, vector<16xi32>,
      %mul3A_252 = arith.constant 1024 : i32
      %mul3A_253 = arith.muli %scan3A_112, %mul3A_252 : i32
      %add3A_254 = vector.broadcast %mul3A_253 : i32 to vector<16xi32>
      %add3A_255 = arith.addi %get3A_251, %add3A_254 : vector<16xi32>
      %gather3A_256 = tpu.vector_load_idx %arg5[%add3A_255] : memref<32768xf32, #tpu.memory_space<vmem>>[vector<16xi32>], vector<16xf32>,
      %mul3A_257 = arith.constant 200 : i32
      %mul3A_258 = arith.muli %scan3A_112, %mul3A_257 : i32
      %add3A_259 = arith.constant 128 : i32
      %add3A_260 = arith.addi %mul3A_258, %add3A_259 : i32
      %swap3A_261 = arith.index_cast %add3A_260 : i32 to index
      %swap3A_262 = tpu.vector_load %arg9[%swap3A_261] {strides = array<i32>} : memref<6400xf32, #tpu.memory_space<vmem>>, vector<16xf32>,
      tpu.vector_store %arg9[%swap3A_261], %gather3A_256 {strides = array<i32>} : memref<6400xf32, #tpu.memory_space<vmem>>, vector<16xf32>,
      %mul3A_263 = arith.constant 200 : i32
      %mul3A_264 = arith.muli %scan3A_112, %mul3A_263 : i32
      %add3A_265 = arith.constant 144 : i32
      %add3A_266 = arith.addi %mul3A_264, %add3A_265 : i32
      %get3A_267 = arith.index_cast %add3A_266 : i32 to index
      %get3A_268 = tpu.vector_load %arg7[%get3A_267] {strides = array<i32>} : memref<6400xi32, #tpu.memory_space<vmem>>, vector<16xi32>,
      %mul3A_269 = arith.constant 1024 : i32
      %mul3A_270 = arith.muli %scan3A_112, %mul3A_269 : i32
      %add3A_271 = vector.broadcast %mul3A_270 : i32 to vector<16xi32>
      %add3A_272 = arith.addi %get3A_268, %add3A_271 : vector<16xi32>
      %gather3A_273 = tpu.vector_load_idx %arg5[%add3A_272] : memref<32768xf32, #tpu.memory_space<vmem>>[vector<16xi32>], vector<16xf32>,
      %mul3A_274 = arith.constant 200 : i32
      %mul3A_275 = arith.muli %scan3A_112, %mul3A_274 : i32
      %add3A_276 = arith.constant 144 : i32
      %add3A_277 = arith.addi %mul3A_275, %add3A_276 : i32
      %swap3A_278 = arith.index_cast %add3A_277 : i32 to index
      %swap3A_279 = tpu.vector_load %arg9[%swap3A_278] {strides = array<i32>} : memref<6400xf32, #tpu.memory_space<vmem>>, vector<16xf32>,
      tpu.vector_store %arg9[%swap3A_278], %gather3A_273 {strides = array<i32>} : memref<6400xf32, #tpu.memory_space<vmem>>, vector<16xf32>,
      %mul3A_280 = arith.constant 200 : i32
      %mul3A_281 = arith.muli %scan3A_112, %mul3A_280 : i32
      %add3A_282 = arith.constant 160 : i32
      %add3A_283 = arith.addi %mul3A_281, %add3A_282 : i32
      %get3A_284 = arith.index_cast %add3A_283 : i32 to index
      %get3A_285 = tpu.vector_load %arg7[%get3A_284] {strides = array<i32>} : memref<6400xi32, #tpu.memory_space<vmem>>, vector<16xi32>,
      %mul3A_286 = arith.constant 1024 : i32
      %mul3A_287 = arith.muli %scan3A_112, %mul3A_286 : i32
      %add3A_288 = vector.broadcast %mul3A_287 : i32 to vector<16xi32>
      %add3A_289 = arith.addi %get3A_285, %add3A_288 : vector<16xi32>
      %gather3A_290 = tpu.vector_load_idx %arg5[%add3A_289] : memref<32768xf32, #tpu.memory_space<vmem>>[vector<16xi32>], vector<16xf32>,
      %mul3A_291 = arith.constant 200 : i32
      %mul3A_292 = arith.muli %scan3A_112, %mul3A_291 : i32
      %add3A_293 = arith.constant 160 : i32
      %add3A_294 = arith.addi %mul3A_292, %add3A_293 : i32
      %swap3A_295 = arith.index_cast %add3A_294 : i32 to index
      %swap3A_296 = tpu.vector_load %arg9[%swap3A_295] {strides = array<i32>} : memref<6400xf32, #tpu.memory_space<vmem>>, vector<16xf32>,
      tpu.vector_store %arg9[%swap3A_295], %gather3A_290 {strides = array<i32>} : memref<6400xf32, #tpu.memory_space<vmem>>, vector<16xf32>,
      %mul3A_297 = arith.constant 200 : i32
      %mul3A_298 = arith.muli %scan3A_112, %mul3A_297 : i32
      %add3A_299 = arith.constant 176 : i32
      %add3A_300 = arith.addi %mul3A_298, %add3A_299 : i32
      %get3A_301 = arith.index_cast %add3A_300 : i32 to index
      %get3A_302 = tpu.vector_load %arg7[%get3A_301] {strides = array<i32>} : memref<6400xi32, #tpu.memory_space<vmem>>, vector<16xi32>,
      %mul3A_303 = arith.constant 1024 : i32
      %mul3A_304 = arith.muli %scan3A_112, %mul3A_303 : i32
      %add3A_305 = vector.broadcast %mul3A_304 : i32 to vector<16xi32>
      %add3A_306 = arith.addi %get3A_302, %add3A_305 : vector<16xi32>
      %gather3A_307 = tpu.vector_load_idx %arg5[%add3A_306] : memref<32768xf32, #tpu.memory_space<vmem>>[vector<16xi32>], vector<16xf32>,
      %mul3A_308 = arith.constant 200 : i32
      %mul3A_309 = arith.muli %scan3A_112, %mul3A_308 : i32
      %add3A_310 = arith.constant 176 : i32
      %add3A_311 = arith.addi %mul3A_309, %add3A_310 : i32
      %swap3A_312 = arith.index_cast %add3A_311 : i32 to index
      %swap3A_313 = tpu.vector_load %arg9[%swap3A_312] {strides = array<i32>} : memref<6400xf32, #tpu.memory_space<vmem>>, vector<16xf32>,
      tpu.vector_store %arg9[%swap3A_312], %gather3A_307 {strides = array<i32>} : memref<6400xf32, #tpu.memory_space<vmem>>, vector<16xf32>,
      %mul3A_314 = arith.constant 200 : i32
      %mul3A_315 = arith.muli %scan3A_112, %mul3A_314 : i32
      %add3A_316 = arith.constant 184 : i32
      %add3A_317 = arith.addi %mul3A_315, %add3A_316 : i32
      %get3A_318 = arith.index_cast %add3A_317 : i32 to index
      %get3A_319 = tpu.vector_load %arg7[%get3A_318] {strides = array<i32>} : memref<6400xi32, #tpu.memory_space<vmem>>, vector<16xi32>,
      %mul3A_320 = arith.constant 1024 : i32
      %mul3A_321 = arith.muli %scan3A_112, %mul3A_320 : i32
      %add3A_322 = vector.broadcast %mul3A_321 : i32 to vector<16xi32>
      %add3A_323 = arith.addi %get3A_319, %add3A_322 : vector<16xi32>
      %gather3A_324 = tpu.vector_load_idx %arg5[%add3A_323] : memref<32768xf32, #tpu.memory_space<vmem>>[vector<16xi32>], vector<16xf32>,
      %mul3A_325 = arith.constant 200 : i32
      %mul3A_326 = arith.muli %scan3A_112, %mul3A_325 : i32
      %add3A_327 = arith.constant 184 : i32
      %add3A_328 = arith.addi %mul3A_326, %add3A_327 : i32
      %swap3A_329 = arith.index_cast %add3A_328 : i32 to index
      %swap3A_330 = tpu.vector_load %arg9[%swap3A_329] {strides = array<i32>} : memref<6400xf32, #tpu.memory_space<vmem>>, vector<16xf32>,
      tpu.vector_store %arg9[%swap3A_329], %gather3A_324 {strides = array<i32>} : memref<6400xf32, #tpu.memory_space<vmem>>, vector<16xf32>,
    }
    %scan3A_29 = arith.constant 32 : i32
    %add3A_30 = arith.constant 0 : i32
    %add3A_31 = arith.addi %mul3A_2, %add3A_30 : i32
    %mul3A_32 = arith.constant 200 : i32
    %mul3A_33 = arith.muli %add3A_31, %mul3A_32 : i32
    %dma_start3A_34 = tpu.memref_slice %arg4[%mul3A_33] : memref<819200xf32, #tpu.memory_space<hbm>> -> memref<6400xf32, #tpu.memory_space<hbm>>
    %dma_start3A_35 = tpu.memref_slice %arg4[%mul3A_33] : memref<819200xf32, #tpu.memory_space<hbm>> -> memref<6400xf32, #tpu.memory_space<hbm>>
    tpu.enqueue_dma source(%arg9 : memref<6400xf32, #tpu.memory_space<vmem>>) target(%dma_start3A_35 : memref<6400xf32, #tpu.memory_space<hbm>>) target_semaphore(%arg15 : memref<!tpu.dma_semaphore, #tpu.memory_space<semaphore_mem>>)
    %add3A_36 = arith.constant 64 : i32
    %add3A_37 = arith.addi %mul3A_2, %add3A_36 : i32
    %mul3A_38 = arith.constant 1024 : i32
    %mul3A_39 = arith.muli %add3A_37, %mul3A_38 : i32
    %dma_start3A_40 = tpu.memref_slice %arg2[%mul3A_39] : memref<4194304xf32, #tpu.memory_space<hbm>> -> memref<32768xf32, #tpu.memory_space<hbm>>
    %dma_start3A_41 = tpu.memref_slice %arg2[%mul3A_39] : memref<4194304xf32, #tpu.memory_space<hbm>> -> memref<32768xf32, #tpu.memory_space<hbm>>
    tpu.enqueue_dma source(%dma_start3A_41 : memref<32768xf32, #tpu.memory_space<hbm>>) target(%arg5 : memref<32768xf32, #tpu.memory_space<vmem>>) target_semaphore(%arg11 : memref<!tpu.dma_semaphore, #tpu.memory_space<semaphore_mem>>)
    %mul3A_42 = arith.constant 200 : i32
    %mul3A_43 = arith.muli %add3A_37, %mul3A_42 : i32
    %dma_start3A_44 = tpu.memref_slice %arg3[%mul3A_43] : memref<819200xi32, #tpu.memory_space<hbm>> -> memref<6400xi32, #tpu.memory_space<hbm>>
    %dma_start3A_45 = tpu.memref_slice %arg3[%mul3A_43] : memref<819200xi32, #tpu.memory_space<hbm>> -> memref<6400xi32, #tpu.memory_space<hbm>>
    tpu.enqueue_dma source(%dma_start3A_45 : memref<6400xi32, #tpu.memory_space<hbm>>) target(%arg7 : memref<6400xi32, #tpu.memory_space<vmem>>) target_semaphore(%arg13 : memref<!tpu.dma_semaphore, #tpu.memory_space<semaphore_mem>>)
    %dma_wait3A_46 = tpu.memref_slice %arg2[%mul3A_15] : memref<4194304xf32, #tpu.memory_space<hbm>> -> memref<32768xf32, #tpu.memory_space<hbm>>
    %dma_wait3A_47 = tpu.memref_slice %arg2[%mul3A_15] : memref<4194304xf32, #tpu.memory_space<hbm>> -> memref<32768xf32, #tpu.memory_space<hbm>>
    tpu.wait_dma2 semaphore(%arg12 : memref<!tpu.dma_semaphore, #tpu.memory_space<semaphore_mem>>) src(%dma_wait3A_47 : memref<32768xf32, #tpu.memory_space<hbm>>) dst(%arg6 : memref<32768xf32, #tpu.memory_space<vmem>>)
    %dma_wait3A_48 = tpu.memref_slice %arg3[%mul3A_19] : memref<819200xi32, #tpu.memory_space<hbm>> -> memref<6400xi32, #tpu.memory_space<hbm>>
    %dma_wait3A_49 = tpu.memref_slice %arg3[%mul3A_19] : memref<819200xi32, #tpu.memory_space<hbm>> -> memref<6400xi32, #tpu.memory_space<hbm>>
    tpu.wait_dma2 semaphore(%arg14 : memref<!tpu.dma_semaphore, #tpu.memory_space<semaphore_mem>>) src(%dma_wait3A_49 : memref<6400xi32, #tpu.memory_space<hbm>>) dst(%arg8 : memref<6400xi32, #tpu.memory_space<vmem>>)
    %scan3A_50 = arith.constant 0 : i32
    %scan3A_51 = arith.constant 0 : i32
    %scan3A_52 = arith.constant 32 : i32
    %scan3A_53 = arith.addi %scan3A_51, %scan3A_52 : i32
    %scan3A_54 = arith.constant 1 : i32
    scf.for %scan3A_112 = %scan3A_51 to %scan3A_53 step %scan3A_54  : i32 {
      %mul3A_113 = arith.constant 200 : i32
      %mul3A_114 = arith.muli %scan3A_112, %mul3A_113 : i32
      %add3A_115 = arith.constant 0 : i32
      %add3A_116 = arith.addi %mul3A_114, %add3A_115 : i32
      %get3A = arith.index_cast %add3A_116 : i32 to index
      %get3A_117 = tpu.vector_load %arg8[%get3A] {strides = array<i32>} : memref<6400xi32, #tpu.memory_space<vmem>>, vector<16xi32>,
      %mul3A_118 = arith.constant 1024 : i32
      %mul3A_119 = arith.muli %scan3A_112, %mul3A_118 : i32
      %add3A_120 = vector.broadcast %mul3A_119 : i32 to vector<16xi32>
      %add3A_121 = arith.addi %get3A_117, %add3A_120 : vector<16xi32>
      %gather3A = tpu.vector_load_idx %arg6[%add3A_121] : memref<32768xf32, #tpu.memory_space<vmem>>[vector<16xi32>], vector<16xf32>,
      %mul3A_122 = arith.constant 200 : i32
      %mul3A_123 = arith.muli %scan3A_112, %mul3A_122 : i32
      %add3A_124 = arith.constant 0 : i32
      %add3A_125 = arith.addi %mul3A_123, %add3A_124 : i32
      %swap3A = arith.index_cast %add3A_125 : i32 to index
      %swap3A_126 = tpu.vector_load %arg10[%swap3A] {strides = array<i32>} : memref<6400xf32, #tpu.memory_space<vmem>>, vector<16xf32>,
      tpu.vector_store %arg10[%swap3A], %gather3A {strides = array<i32>} : memref<6400xf32, #tpu.memory_space<vmem>>, vector<16xf32>,
      %mul3A_127 = arith.constant 200 : i32
      %mul3A_128 = arith.muli %scan3A_112, %mul3A_127 : i32
      %add3A_129 = arith.constant 16 : i32
      %add3A_130 = arith.addi %mul3A_128, %add3A_129 : i32
      %get3A_131 = arith.index_cast %add3A_130 : i32 to index
      %get3A_132 = tpu.vector_load %arg8[%get3A_131] {strides = array<i32>} : memref<6400xi32, #tpu.memory_space<vmem>>, vector<16xi32>,
      %mul3A_133 = arith.constant 1024 : i32
      %mul3A_134 = arith.muli %scan3A_112, %mul3A_133 : i32
      %add3A_135 = vector.broadcast %mul3A_134 : i32 to vector<16xi32>
      %add3A_136 = arith.addi %get3A_132, %add3A_135 : vector<16xi32>
      %gather3A_137 = tpu.vector_load_idx %arg6[%add3A_136] : memref<32768xf32, #tpu.memory_space<vmem>>[vector<16xi32>], vector<16xf32>,
      %mul3A_138 = arith.constant 200 : i32
      %mul3A_139 = arith.muli %scan3A_112, %mul3A_138 : i32
      %add3A_140 = arith.constant 16 : i32
      %add3A_141 = arith.addi %mul3A_139, %add3A_140 : i32
      %swap3A_142 = arith.index_cast %add3A_141 : i32 to index
      %swap3A_143 = tpu.vector_load %arg10[%swap3A_142] {strides = array<i32>} : memref<6400xf32, #tpu.memory_space<vmem>>, vector<16xf32>,
      tpu.vector_store %arg10[%swap3A_142], %gather3A_137 {strides = array<i32>} : memref<6400xf32, #tpu.memory_space<vmem>>, vector<16xf32>,
      %mul3A_144 = arith.constant 200 : i32
      %mul3A_145 = arith.muli %scan3A_112, %mul3A_144 : i32
      %add3A_146 = arith.constant 32 : i32
      %add3A_147 = arith.addi %mul3A_145, %add3A_146 : i32
      %get3A_148 = arith.index_cast %add3A_147 : i32 to index
      %get3A_149 = tpu.vector_load %arg8[%get3A_148] {strides = array<i32>} : memref<6400xi32, #tpu.memory_space<vmem>>, vector<16xi32>,
      %mul3A_150 = arith.constant 1024 : i32
      %mul3A_151 = arith.muli %scan3A_112, %mul3A_150 : i32
      %add3A_152 = vector.broadcast %mul3A_151 : i32 to vector<16xi32>
      %add3A_153 = arith.addi %get3A_149, %add3A_152 : vector<16xi32>
      %gather3A_154 = tpu.vector_load_idx %arg6[%add3A_153] : memref<32768xf32, #tpu.memory_space<vmem>>[vector<16xi32>], vector<16xf32>,
      %mul3A_155 = arith.constant 200 : i32
      %mul3A_156 = arith.muli %scan3A_112, %mul3A_155 : i32
      %add3A_157 = arith.constant 32 : i32
      %add3A_158 = arith.addi %mul3A_156, %add3A_157 : i32
      %swap3A_159 = arith.index_cast %add3A_158 : i32 to index
      %swap3A_160 = tpu.vector_load %arg10[%swap3A_159] {strides = array<i32>} : memref<6400xf32, #tpu.memory_space<vmem>>, vector<16xf32>,
      tpu.vector_store %arg10[%swap3A_159], %gather3A_154 {strides = array<i32>} : memref<6400xf32, #tpu.memory_space<vmem>>, vector<16xf32>,
      %mul3A_161 = arith.constant 200 : i32
      %mul3A_162 = arith.muli %scan3A_112, %mul3A_161 : i32
      %add3A_163 = arith.constant 48 : i32
      %add3A_164 = arith.addi %mul3A_162, %add3A_163 : i32
      %get3A_165 = arith.index_cast %add3A_164 : i32 to index
      %get3A_166 = tpu.vector_load %arg8[%get3A_165] {strides = array<i32>} : memref<6400xi32, #tpu.memory_space<vmem>>, vector<16xi32>,
      %mul3A_167 = arith.constant 1024 : i32
      %mul3A_168 = arith.muli %scan3A_112, %mul3A_167 : i32
      %add3A_169 = vector.broadcast %mul3A_168 : i32 to vector<16xi32>
      %add3A_170 = arith.addi %get3A_166, %add3A_169 : vector<16xi32>
      %gather3A_171 = tpu.vector_load_idx %arg6[%add3A_170] : memref<32768xf32, #tpu.memory_space<vmem>>[vector<16xi32>], vector<16xf32>,
      %mul3A_172 = arith.constant 200 : i32
      %mul3A_173 = arith.muli %scan3A_112, %mul3A_172 : i32
      %add3A_174 = arith.constant 48 : i32
      %add3A_175 = arith.addi %mul3A_173, %add3A_174 : i32
      %swap3A_176 = arith.index_cast %add3A_175 : i32 to index
      %swap3A_177 = tpu.vector_load %arg10[%swap3A_176] {strides = array<i32>} : memref<6400xf32, #tpu.memory_space<vmem>>, vector<16xf32>,
      tpu.vector_store %arg10[%swap3A_176], %gather3A_171 {strides = array<i32>} : memref<6400xf32, #tpu.memory_space<vmem>>, vector<16xf32>,
      %mul3A_178 = arith.constant 200 : i32
      %mul3A_179 = arith.muli %scan3A_112, %mul3A_178 : i32
      %add3A_180 = arith.constant 64 : i32
      %add3A_181 = arith.addi %mul3A_179, %add3A_180 : i32
      %get3A_182 = arith.index_cast %add3A_181 : i32 to index
      %get3A_183 = tpu.vector_load %arg8[%get3A_182] {strides = array<i32>} : memref<6400xi32, #tpu.memory_space<vmem>>, vector<16xi32>,
      %mul3A_184 = arith.constant 1024 : i32
      %mul3A_185 = arith.muli %scan3A_112, %mul3A_184 : i32
      %add3A_186 = vector.broadcast %mul3A_185 : i32 to vector<16xi32>
      %add3A_187 = arith.addi %get3A_183, %add3A_186 : vector<16xi32>
      %gather3A_188 = tpu.vector_load_idx %arg6[%add3A_187] : memref<32768xf32, #tpu.memory_space<vmem>>[vector<16xi32>], vector<16xf32>,
      %mul3A_189 = arith.constant 200 : i32
      %mul3A_190 = arith.muli %scan3A_112, %mul3A_189 : i32
      %add3A_191 = arith.constant 64 : i32
      %add3A_192 = arith.addi %mul3A_190, %add3A_191 : i32
      %swap3A_193 = arith.index_cast %add3A_192 : i32 to index
      %swap3A_194 = tpu.vector_load %arg10[%swap3A_193] {strides = array<i32>} : memref<6400xf32, #tpu.memory_space<vmem>>, vector<16xf32>,
      tpu.vector_store %arg10[%swap3A_193], %gather3A_188 {strides = array<i32>} : memref<6400xf32, #tpu.memory_space<vmem>>, vector<16xf32>,
      %mul3A_195 = arith.constant 200 : i32
      %mul3A_196 = arith.muli %scan3A_112, %mul3A_195 : i32
      %add3A_197 = arith.constant 80 : i32
      %add3A_198 = arith.addi %mul3A_196, %add3A_197 : i32
      %get3A_199 = arith.index_cast %add3A_198 : i32 to index
      %get3A_200 = tpu.vector_load %arg8[%get3A_199] {strides = array<i32>} : memref<6400xi32, #tpu.memory_space<vmem>>, vector<16xi32>,
      %mul3A_201 = arith.constant 1024 : i32
      %mul3A_202 = arith.muli %scan3A_112, %mul3A_201 : i32
      %add3A_203 = vector.broadcast %mul3A_202 : i32 to vector<16xi32>
      %add3A_204 = arith.addi %get3A_200, %add3A_203 : vector<16xi32>
      %gather3A_205 = tpu.vector_load_idx %arg6[%add3A_204] : memref<32768xf32, #tpu.memory_space<vmem>>[vector<16xi32>], vector<16xf32>,
      %mul3A_206 = arith.constant 200 : i32
      %mul3A_207 = arith.muli %scan3A_112, %mul3A_206 : i32
      %add3A_208 = arith.constant 80 : i32
      %add3A_209 = arith.addi %mul3A_207, %add3A_208 : i32
      %swap3A_210 = arith.index_cast %add3A_209 : i32 to index
      %swap3A_211 = tpu.vector_load %arg10[%swap3A_210] {strides = array<i32>} : memref<6400xf32, #tpu.memory_space<vmem>>, vector<16xf32>,
      tpu.vector_store %arg10[%swap3A_210], %gather3A_205 {strides = array<i32>} : memref<6400xf32, #tpu.memory_space<vmem>>, vector<16xf32>,
      %mul3A_212 = arith.constant 200 : i32
      %mul3A_213 = arith.muli %scan3A_112, %mul3A_212 : i32
      %add3A_214 = arith.constant 96 : i32
      %add3A_215 = arith.addi %mul3A_213, %add3A_214 : i32
      %get3A_216 = arith.index_cast %add3A_215 : i32 to index
      %get3A_217 = tpu.vector_load %arg8[%get3A_216] {strides = array<i32>} : memref<6400xi32, #tpu.memory_space<vmem>>, vector<16xi32>,
      %mul3A_218 = arith.constant 1024 : i32
      %mul3A_219 = arith.muli %scan3A_112, %mul3A_218 : i32
      %add3A_220 = vector.broadcast %mul3A_219 : i32 to vector<16xi32>
      %add3A_221 = arith.addi %get3A_217, %add3A_220 : vector<16xi32>
      %gather3A_222 = tpu.vector_load_idx %arg6[%add3A_221] : memref<32768xf32, #tpu.memory_space<vmem>>[vector<16xi32>], vector<16xf32>,
      %mul3A_223 = arith.constant 200 : i32
      %mul3A_224 = arith.muli %scan3A_112, %mul3A_223 : i32
      %add3A_225 = arith.constant 96 : i32
      %add3A_226 = arith.addi %mul3A_224, %add3A_225 : i32
      %swap3A_227 = arith.index_cast %add3A_226 : i32 to index
      %swap3A_228 = tpu.vector_load %arg10[%swap3A_227] {strides = array<i32>} : memref<6400xf32, #tpu.memory_space<vmem>>, vector<16xf32>,
      tpu.vector_store %arg10[%swap3A_227], %gather3A_222 {strides = array<i32>} : memref<6400xf32, #tpu.memory_space<vmem>>, vector<16xf32>,
      %mul3A_229 = arith.constant 200 : i32
      %mul3A_230 = arith.muli %scan3A_112, %mul3A_229 : i32
      %add3A_231 = arith.constant 112 : i32
      %add3A_232 = arith.addi %mul3A_230, %add3A_231 : i32
      %get3A_233 = arith.index_cast %add3A_232 : i32 to index
      %get3A_234 = tpu.vector_load %arg8[%get3A_233] {strides = array<i32>} : memref<6400xi32, #tpu.memory_space<vmem>>, vector<16xi32>,
      %mul3A_235 = arith.constant 1024 : i32
      %mul3A_236 = arith.muli %scan3A_112, %mul3A_235 : i32
      %add3A_237 = vector.broadcast %mul3A_236 : i32 to vector<16xi32>
      %add3A_238 = arith.addi %get3A_234, %add3A_237 : vector<16xi32>
      %gather3A_239 = tpu.vector_load_idx %arg6[%add3A_238] : memref<32768xf32, #tpu.memory_space<vmem>>[vector<16xi32>], vector<16xf32>,
      %mul3A_240 = arith.constant 200 : i32
      %mul3A_241 = arith.muli %scan3A_112, %mul3A_240 : i32
      %add3A_242 = arith.constant 112 : i32
      %add3A_243 = arith.addi %mul3A_241, %add3A_242 : i32
      %swap3A_244 = arith.index_cast %add3A_243 : i32 to index
      %swap3A_245 = tpu.vector_load %arg10[%swap3A_244] {strides = array<i32>} : memref<6400xf32, #tpu.memory_space<vmem>>, vector<16xf32>,
      tpu.vector_store %arg10[%swap3A_244], %gather3A_239 {strides = array<i32>} : memref<6400xf32, #tpu.memory_space<vmem>>, vector<16xf32>,
      %mul3A_246 = arith.constant 200 : i32
      %mul3A_247 = arith.muli %scan3A_112, %mul3A_246 : i32
      %add3A_248 = arith.constant 128 : i32
      %add3A_249 = arith.addi %mul3A_247, %add3A_248 : i32
      %get3A_250 = arith.index_cast %add3A_249 : i32 to index
      %get3A_251 = tpu.vector_load %arg8[%get3A_250] {strides = array<i32>} : memref<6400xi32, #tpu.memory_space<vmem>>, vector<16xi32>,
      %mul3A_252 = arith.constant 1024 : i32
      %mul3A_253 = arith.muli %scan3A_112, %mul3A_252 : i32
      %add3A_254 = vector.broadcast %mul3A_253 : i32 to vector<16xi32>
      %add3A_255 = arith.addi %get3A_251, %add3A_254 : vector<16xi32>
      %gather3A_256 = tpu.vector_load_idx %arg6[%add3A_255] : memref<32768xf32, #tpu.memory_space<vmem>>[vector<16xi32>], vector<16xf32>,
      %mul3A_257 = arith.constant 200 : i32
      %mul3A_258 = arith.muli %scan3A_112, %mul3A_257 : i32
      %add3A_259 = arith.constant 128 : i32
      %add3A_260 = arith.addi %mul3A_258, %add3A_259 : i32
      %swap3A_261 = arith.index_cast %add3A_260 : i32 to index
      %swap3A_262 = tpu.vector_load %arg10[%swap3A_261] {strides = array<i32>} : memref<6400xf32, #tpu.memory_space<vmem>>, vector<16xf32>,
      tpu.vector_store %arg10[%swap3A_261], %gather3A_256 {strides = array<i32>} : memref<6400xf32, #tpu.memory_space<vmem>>, vector<16xf32>,
      %mul3A_263 = arith.constant 200 : i32
      %mul3A_264 = arith.muli %scan3A_112, %mul3A_263 : i32
      %add3A_265 = arith.constant 144 : i32
      %add3A_266 = arith.addi %mul3A_264, %add3A_265 : i32
      %get3A_267 = arith.index_cast %add3A_266 : i32 to index
      %get3A_268 = tpu.vector_load %arg8[%get3A_267] {strides = array<i32>} : memref<6400xi32, #tpu.memory_space<vmem>>, vector<16xi32>,
      %mul3A_269 = arith.constant 1024 : i32
      %mul3A_270 = arith.muli %scan3A_112, %mul3A_269 : i32
      %add3A_271 = vector.broadcast %mul3A_270 : i32 to vector<16xi32>
      %add3A_272 = arith.addi %get3A_268, %add3A_271 : vector<16xi32>
      %gather3A_273 = tpu.vector_load_idx %arg6[%add3A_272] : memref<32768xf32, #tpu.memory_space<vmem>>[vector<16xi32>], vector<16xf32>,
      %mul3A_274 = arith.constant 200 : i32
      %mul3A_275 = arith.muli %scan3A_112, %mul3A_274 : i32
      %add3A_276 = arith.constant 144 : i32
      %add3A_277 = arith.addi %mul3A_275, %add3A_276 : i32
      %swap3A_278 = arith.index_cast %add3A_277 : i32 to index
      %swap3A_279 = tpu.vector_load %arg10[%swap3A_278] {strides = array<i32>} : memref<6400xf32, #tpu.memory_space<vmem>>, vector<16xf32>,
      tpu.vector_store %arg10[%swap3A_278], %gather3A_273 {strides = array<i32>} : memref<6400xf32, #tpu.memory_space<vmem>>, vector<16xf32>,
      %mul3A_280 = arith.constant 200 : i32
      %mul3A_281 = arith.muli %scan3A_112, %mul3A_280 : i32
      %add3A_282 = arith.constant 160 : i32
      %add3A_283 = arith.addi %mul3A_281, %add3A_282 : i32
      %get3A_284 = arith.index_cast %add3A_283 : i32 to index
      %get3A_285 = tpu.vector_load %arg8[%get3A_284] {strides = array<i32>} : memref<6400xi32, #tpu.memory_space<vmem>>, vector<16xi32>,
      %mul3A_286 = arith.constant 1024 : i32
      %mul3A_287 = arith.muli %scan3A_112, %mul3A_286 : i32
      %add3A_288 = vector.broadcast %mul3A_287 : i32 to vector<16xi32>
      %add3A_289 = arith.addi %get3A_285, %add3A_288 : vector<16xi32>
      %gather3A_290 = tpu.vector_load_idx %arg6[%add3A_289] : memref<32768xf32, #tpu.memory_space<vmem>>[vector<16xi32>], vector<16xf32>,
      %mul3A_291 = arith.constant 200 : i32
      %mul3A_292 = arith.muli %scan3A_112, %mul3A_291 : i32
      %add3A_293 = arith.constant 160 : i32
      %add3A_294 = arith.addi %mul3A_292, %add3A_293 : i32
      %swap3A_295 = arith.index_cast %add3A_294 : i32 to index
      %swap3A_296 = tpu.vector_load %arg10[%swap3A_295] {strides = array<i32>} : memref<6400xf32, #tpu.memory_space<vmem>>, vector<16xf32>,
      tpu.vector_store %arg10[%swap3A_295], %gather3A_290 {strides = array<i32>} : memref<6400xf32, #tpu.memory_space<vmem>>, vector<16xf32>,
      %mul3A_297 = arith.constant 200 : i32
      %mul3A_298 = arith.muli %scan3A_112, %mul3A_297 : i32
      %add3A_299 = arith.constant 176 : i32
      %add3A_300 = arith.addi %mul3A_298, %add3A_299 : i32
      %get3A_301 = arith.index_cast %add3A_300 : i32 to index
      %get3A_302 = tpu.vector_load %arg8[%get3A_301] {strides = array<i32>} : memref<6400xi32, #tpu.memory_space<vmem>>, vector<16xi32>,
      %mul3A_303 = arith.constant 1024 : i32
      %mul3A_304 = arith.muli %scan3A_112, %mul3A_303 : i32
      %add3A_305 = vector.broadcast %mul3A_304 : i32 to vector<16xi32>
      %add3A_306 = arith.addi %get3A_302, %add3A_305 : vector<16xi32>
      %gather3A_307 = tpu.vector_load_idx %arg6[%add3A_306] : memref<32768xf32, #tpu.memory_space<vmem>>[vector<16xi32>], vector<16xf32>,
      %mul3A_308 = arith.constant 200 : i32
      %mul3A_309 = arith.muli %scan3A_112, %mul3A_308 : i32
      %add3A_310 = arith.constant 176 : i32
      %add3A_311 = arith.addi %mul3A_309, %add3A_310 : i32
      %swap3A_312 = arith.index_cast %add3A_311 : i32 to index
      %swap3A_313 = tpu.vector_load %arg10[%swap3A_312] {strides = array<i32>} : memref<6400xf32, #tpu.memory_space<vmem>>, vector<16xf32>,
      tpu.vector_store %arg10[%swap3A_312], %gather3A_307 {strides = array<i32>} : memref<6400xf32, #tpu.memory_space<vmem>>, vector<16xf32>,
      %mul3A_314 = arith.constant 200 : i32
      %mul3A_315 = arith.muli %scan3A_112, %mul3A_314 : i32
      %add3A_316 = arith.constant 184 : i32
      %add3A_317 = arith.addi %mul3A_315, %add3A_316 : i32
      %get3A_318 = arith.index_cast %add3A_317 : i32 to index
      %get3A_319 = tpu.vector_load %arg8[%get3A_318] {strides = array<i32>} : memref<6400xi32, #tpu.memory_space<vmem>>, vector<16xi32>,
      %mul3A_320 = arith.constant 1024 : i32
      %mul3A_321 = arith.muli %scan3A_112, %mul3A_320 : i32
      %add3A_322 = vector.broadcast %mul3A_321 : i32 to vector<16xi32>
      %add3A_323 = arith.addi %get3A_319, %add3A_322 : vector<16xi32>
      %gather3A_324 = tpu.vector_load_idx %arg6[%add3A_323] : memref<32768xf32, #tpu.memory_space<vmem>>[vector<16xi32>], vector<16xf32>,
      %mul3A_325 = arith.constant 200 : i32
      %mul3A_326 = arith.muli %scan3A_112, %mul3A_325 : i32
      %add3A_327 = arith.constant 184 : i32
      %add3A_328 = arith.addi %mul3A_326, %add3A_327 : i32
      %swap3A_329 = arith.index_cast %add3A_328 : i32 to index
      %swap3A_330 = tpu.vector_load %arg10[%swap3A_329] {strides = array<i32>} : memref<6400xf32, #tpu.memory_space<vmem>>, vector<16xf32>,
      tpu.vector_store %arg10[%swap3A_329], %gather3A_324 {strides = array<i32>} : memref<6400xf32, #tpu.memory_space<vmem>>, vector<16xf32>,
    }
    %scan3A_55 = arith.constant 32 : i32
    %add3A_56 = arith.constant 32 : i32
    %add3A_57 = arith.addi %mul3A_2, %add3A_56 : i32
    %mul3A_58 = arith.constant 200 : i32
    %mul3A_59 = arith.muli %add3A_57, %mul3A_58 : i32
    %dma_start3A_60 = tpu.memref_slice %arg4[%mul3A_59] : memref<819200xf32, #tpu.memory_space<hbm>> -> memref<6400xf32, #tpu.memory_space<hbm>>
    %dma_start3A_61 = tpu.memref_slice %arg4[%mul3A_59] : memref<819200xf32, #tpu.memory_space<hbm>> -> memref<6400xf32, #tpu.memory_space<hbm>>
    tpu.enqueue_dma source(%arg10 : memref<6400xf32, #tpu.memory_space<vmem>>) target(%dma_start3A_61 : memref<6400xf32, #tpu.memory_space<hbm>>) target_semaphore(%arg16 : memref<!tpu.dma_semaphore, #tpu.memory_space<semaphore_mem>>)
    %add3A_62 = arith.constant 96 : i32
    %add3A_63 = arith.addi %mul3A_2, %add3A_62 : i32
    %mul3A_64 = arith.constant 1024 : i32
    %mul3A_65 = arith.muli %add3A_63, %mul3A_64 : i32
    %dma_start3A_66 = tpu.memref_slice %arg2[%mul3A_65] : memref<4194304xf32, #tpu.memory_space<hbm>> -> memref<32768xf32, #tpu.memory_space<hbm>>
    %dma_start3A_67 = tpu.memref_slice %arg2[%mul3A_65] : memref<4194304xf32, #tpu.memory_space<hbm>> -> memref<32768xf32, #tpu.memory_space<hbm>>
    tpu.enqueue_dma source(%dma_start3A_67 : memref<32768xf32, #tpu.memory_space<hbm>>) target(%arg6 : memref<32768xf32, #tpu.memory_space<vmem>>) target_semaphore(%arg12 : memref<!tpu.dma_semaphore, #tpu.memory_space<semaphore_mem>>)
    %mul3A_68 = arith.constant 200 : i32
    %mul3A_69 = arith.muli %add3A_63, %mul3A_68 : i32
    %dma_start3A_70 = tpu.memref_slice %arg3[%mul3A_69] : memref<819200xi32, #tpu.memory_space<hbm>> -> memref<6400xi32, #tpu.memory_space<hbm>>
    %dma_start3A_71 = tpu.memref_slice %arg3[%mul3A_69] : memref<819200xi32, #tpu.memory_space<hbm>> -> memref<6400xi32, #tpu.memory_space<hbm>>
    tpu.enqueue_dma source(%dma_start3A_71 : memref<6400xi32, #tpu.memory_space<hbm>>) target(%arg8 : memref<6400xi32, #tpu.memory_space<vmem>>) target_semaphore(%arg14 : memref<!tpu.dma_semaphore, #tpu.memory_space<semaphore_mem>>)
    %dma_wait3A_72 = tpu.memref_slice %arg2[%mul3A_39] : memref<4194304xf32, #tpu.memory_space<hbm>> -> memref<32768xf32, #tpu.memory_space<hbm>>
    %dma_wait3A_73 = tpu.memref_slice %arg2[%mul3A_39] : memref<4194304xf32, #tpu.memory_space<hbm>> -> memref<32768xf32, #tpu.memory_space<hbm>>
    tpu.wait_dma2 semaphore(%arg11 : memref<!tpu.dma_semaphore, #tpu.memory_space<semaphore_mem>>) src(%dma_wait3A_73 : memref<32768xf32, #tpu.memory_space<hbm>>) dst(%arg5 : memref<32768xf32, #tpu.memory_space<vmem>>)
    %dma_wait3A_74 = tpu.memref_slice %arg3[%mul3A_43] : memref<819200xi32, #tpu.memory_space<hbm>> -> memref<6400xi32, #tpu.memory_space<hbm>>
    %dma_wait3A_75 = tpu.memref_slice %arg3[%mul3A_43] : memref<819200xi32, #tpu.memory_space<hbm>> -> memref<6400xi32, #tpu.memory_space<hbm>>
    tpu.wait_dma2 semaphore(%arg13 : memref<!tpu.dma_semaphore, #tpu.memory_space<semaphore_mem>>) src(%dma_wait3A_75 : memref<6400xi32, #tpu.memory_space<hbm>>) dst(%arg7 : memref<6400xi32, #tpu.memory_space<vmem>>)
    %dma_wait3A_76 = tpu.memref_slice %arg4[%mul3A_33] : memref<819200xf32, #tpu.memory_space<hbm>> -> memref<6400xf32, #tpu.memory_space<hbm>>
    %dma_wait3A_77 = tpu.memref_slice %arg4[%mul3A_33] : memref<819200xf32, #tpu.memory_space<hbm>> -> memref<6400xf32, #tpu.memory_space<hbm>>
    tpu.wait_dma2 semaphore(%arg15 : memref<!tpu.dma_semaphore, #tpu.memory_space<semaphore_mem>>) src(%arg9 : memref<6400xf32, #tpu.memory_space<vmem>>) dst(%dma_wait3A_77 : memref<6400xf32, #tpu.memory_space<hbm>>)
    %scan3A_78 = arith.constant 0 : i32
    %scan3A_79 = arith.constant 0 : i32
    %scan3A_80 = arith.constant 32 : i32
    %scan3A_81 = arith.addi %scan3A_79, %scan3A_80 : i32
    %scan3A_82 = arith.constant 1 : i32
    scf.for %scan3A_112 = %scan3A_79 to %scan3A_81 step %scan3A_82  : i32 {
      %mul3A_113 = arith.constant 200 : i32
      %mul3A_114 = arith.muli %scan3A_112, %mul3A_113 : i32
      %add3A_115 = arith.constant 0 : i32
      %add3A_116 = arith.addi %mul3A_114, %add3A_115 : i32
      %get3A = arith.index_cast %add3A_116 : i32 to index
      %get3A_117 = tpu.vector_load %arg7[%get3A] {strides = array<i32>} : memref<6400xi32, #tpu.memory_space<vmem>>, vector<16xi32>,
      %mul3A_118 = arith.constant 1024 : i32
      %mul3A_119 = arith.muli %scan3A_112, %mul3A_118 : i32
      %add3A_120 = vector.broadcast %mul3A_119 : i32 to vector<16xi32>
      %add3A_121 = arith.addi %get3A_117, %add3A_120 : vector<16xi32>
      %gather3A = tpu.vector_load_idx %arg5[%add3A_121] : memref<32768xf32, #tpu.memory_space<vmem>>[vector<16xi32>], vector<16xf32>,
      %mul3A_122 = arith.constant 200 : i32
      %mul3A_123 = arith.muli %scan3A_112, %mul3A_122 : i32
      %add3A_124 = arith.constant 0 : i32
      %add3A_125 = arith.addi %mul3A_123, %add3A_124 : i32
      %swap3A = arith.index_cast %add3A_125 : i32 to index
      %swap3A_126 = tpu.vector_load %arg9[%swap3A] {strides = array<i32>} : memref<6400xf32, #tpu.memory_space<vmem>>, vector<16xf32>,
      tpu.vector_store %arg9[%swap3A], %gather3A {strides = array<i32>} : memref<6400xf32, #tpu.memory_space<vmem>>, vector<16xf32>,
      %mul3A_127 = arith.constant 200 : i32
      %mul3A_128 = arith.muli %scan3A_112, %mul3A_127 : i32
      %add3A_129 = arith.constant 16 : i32
      %add3A_130 = arith.addi %mul3A_128, %add3A_129 : i32
      %get3A_131 = arith.index_cast %add3A_130 : i32 to index
      %get3A_132 = tpu.vector_load %arg7[%get3A_131] {strides = array<i32>} : memref<6400xi32, #tpu.memory_space<vmem>>, vector<16xi32>,
      %mul3A_133 = arith.constant 1024 : i32
      %mul3A_134 = arith.muli %scan3A_112, %mul3A_133 : i32
      %add3A_135 = vector.broadcast %mul3A_134 : i32 to vector<16xi32>
      %add3A_136 = arith.addi %get3A_132, %add3A_135 : vector<16xi32>
      %gather3A_137 = tpu.vector_load_idx %arg5[%add3A_136] : memref<32768xf32, #tpu.memory_space<vmem>>[vector<16xi32>], vector<16xf32>,
      %mul3A_138 = arith.constant 200 : i32
      %mul3A_139 = arith.muli %scan3A_112, %mul3A_138 : i32
      %add3A_140 = arith.constant 16 : i32
      %add3A_141 = arith.addi %mul3A_139, %add3A_140 : i32
      %swap3A_142 = arith.index_cast %add3A_141 : i32 to index
      %swap3A_143 = tpu.vector_load %arg9[%swap3A_142] {strides = array<i32>} : memref<6400xf32, #tpu.memory_space<vmem>>, vector<16xf32>,
      tpu.vector_store %arg9[%swap3A_142], %gather3A_137 {strides = array<i32>} : memref<6400xf32, #tpu.memory_space<vmem>>, vector<16xf32>,
      %mul3A_144 = arith.constant 200 : i32
      %mul3A_145 = arith.muli %scan3A_112, %mul3A_144 : i32
      %add3A_146 = arith.constant 32 : i32
      %add3A_147 = arith.addi %mul3A_145, %add3A_146 : i32
      %get3A_148 = arith.index_cast %add3A_147 : i32 to index
      %get3A_149 = tpu.vector_load %arg7[%get3A_148] {strides = array<i32>} : memref<6400xi32, #tpu.memory_space<vmem>>, vector<16xi32>,
      %mul3A_150 = arith.constant 1024 : i32
      %mul3A_151 = arith.muli %scan3A_112, %mul3A_150 : i32
      %add3A_152 = vector.broadcast %mul3A_151 : i32 to vector<16xi32>
      %add3A_153 = arith.addi %get3A_149, %add3A_152 : vector<16xi32>
      %gather3A_154 = tpu.vector_load_idx %arg5[%add3A_153] : memref<32768xf32, #tpu.memory_space<vmem>>[vector<16xi32>], vector<16xf32>,
      %mul3A_155 = arith.constant 200 : i32
      %mul3A_156 = arith.muli %scan3A_112, %mul3A_155 : i32
      %add3A_157 = arith.constant 32 : i32
      %add3A_158 = arith.addi %mul3A_156, %add3A_157 : i32
      %swap3A_159 = arith.index_cast %add3A_158 : i32 to index
      %swap3A_160 = tpu.vector_load %arg9[%swap3A_159] {strides = array<i32>} : memref<6400xf32, #tpu.memory_space<vmem>>, vector<16xf32>,
      tpu.vector_store %arg9[%swap3A_159], %gather3A_154 {strides = array<i32>} : memref<6400xf32, #tpu.memory_space<vmem>>, vector<16xf32>,
      %mul3A_161 = arith.constant 200 : i32
      %mul3A_162 = arith.muli %scan3A_112, %mul3A_161 : i32
      %add3A_163 = arith.constant 48 : i32
      %add3A_164 = arith.addi %mul3A_162, %add3A_163 : i32
      %get3A_165 = arith.index_cast %add3A_164 : i32 to index
      %get3A_166 = tpu.vector_load %arg7[%get3A_165] {strides = array<i32>} : memref<6400xi32, #tpu.memory_space<vmem>>, vector<16xi32>,
      %mul3A_167 = arith.constant 1024 : i32
      %mul3A_168 = arith.muli %scan3A_112, %mul3A_167 : i32
      %add3A_169 = vector.broadcast %mul3A_168 : i32 to vector<16xi32>
      %add3A_170 = arith.addi %get3A_166, %add3A_169 : vector<16xi32>
      %gather3A_171 = tpu.vector_load_idx %arg5[%add3A_170] : memref<32768xf32, #tpu.memory_space<vmem>>[vector<16xi32>], vector<16xf32>,
      %mul3A_172 = arith.constant 200 : i32
      %mul3A_173 = arith.muli %scan3A_112, %mul3A_172 : i32
      %add3A_174 = arith.constant 48 : i32
      %add3A_175 = arith.addi %mul3A_173, %add3A_174 : i32
      %swap3A_176 = arith.index_cast %add3A_175 : i32 to index
      %swap3A_177 = tpu.vector_load %arg9[%swap3A_176] {strides = array<i32>} : memref<6400xf32, #tpu.memory_space<vmem>>, vector<16xf32>,
      tpu.vector_store %arg9[%swap3A_176], %gather3A_171 {strides = array<i32>} : memref<6400xf32, #tpu.memory_space<vmem>>, vector<16xf32>,
      %mul3A_178 = arith.constant 200 : i32
      %mul3A_179 = arith.muli %scan3A_112, %mul3A_178 : i32
      %add3A_180 = arith.constant 64 : i32
      %add3A_181 = arith.addi %mul3A_179, %add3A_180 : i32
      %get3A_182 = arith.index_cast %add3A_181 : i32 to index
      %get3A_183 = tpu.vector_load %arg7[%get3A_182] {strides = array<i32>} : memref<6400xi32, #tpu.memory_space<vmem>>, vector<16xi32>,
      %mul3A_184 = arith.constant 1024 : i32
      %mul3A_185 = arith.muli %scan3A_112, %mul3A_184 : i32
      %add3A_186 = vector.broadcast %mul3A_185 : i32 to vector<16xi32>
      %add3A_187 = arith.addi %get3A_183, %add3A_186 : vector<16xi32>
      %gather3A_188 = tpu.vector_load_idx %arg5[%add3A_187] : memref<32768xf32, #tpu.memory_space<vmem>>[vector<16xi32>], vector<16xf32>,
      %mul3A_189 = arith.constant 200 : i32
      %mul3A_190 = arith.muli %scan3A_112, %mul3A_189 : i32
      %add3A_191 = arith.constant 64 : i32
      %add3A_192 = arith.addi %mul3A_190, %add3A_191 : i32
      %swap3A_193 = arith.index_cast %add3A_192 : i32 to index
      %swap3A_194 = tpu.vector_load %arg9[%swap3A_193] {strides = array<i32>} : memref<6400xf32, #tpu.memory_space<vmem>>, vector<16xf32>,
      tpu.vector_store %arg9[%swap3A_193], %gather3A_188 {strides = array<i32>} : memref<6400xf32, #tpu.memory_space<vmem>>, vector<16xf32>,
      %mul3A_195 = arith.constant 200 : i32
      %mul3A_196 = arith.muli %scan3A_112, %mul3A_195 : i32
      %add3A_197 = arith.constant 80 : i32
      %add3A_198 = arith.addi %mul3A_196, %add3A_197 : i32
      %get3A_199 = arith.index_cast %add3A_198 : i32 to index
      %get3A_200 = tpu.vector_load %arg7[%get3A_199] {strides = array<i32>} : memref<6400xi32, #tpu.memory_space<vmem>>, vector<16xi32>,
      %mul3A_201 = arith.constant 1024 : i32
      %mul3A_202 = arith.muli %scan3A_112, %mul3A_201 : i32
      %add3A_203 = vector.broadcast %mul3A_202 : i32 to vector<16xi32>
      %add3A_204 = arith.addi %get3A_200, %add3A_203 : vector<16xi32>
      %gather3A_205 = tpu.vector_load_idx %arg5[%add3A_204] : memref<32768xf32, #tpu.memory_space<vmem>>[vector<16xi32>], vector<16xf32>,
      %mul3A_206 = arith.constant 200 : i32
      %mul3A_207 = arith.muli %scan3A_112, %mul3A_206 : i32
      %add3A_208 = arith.constant 80 : i32
      %add3A_209 = arith.addi %mul3A_207, %add3A_208 : i32
      %swap3A_210 = arith.index_cast %add3A_209 : i32 to index
      %swap3A_211 = tpu.vector_load %arg9[%swap3A_210] {strides = array<i32>} : memref<6400xf32, #tpu.memory_space<vmem>>, vector<16xf32>,
      tpu.vector_store %arg9[%swap3A_210], %gather3A_205 {strides = array<i32>} : memref<6400xf32, #tpu.memory_space<vmem>>, vector<16xf32>,
      %mul3A_212 = arith.constant 200 : i32
      %mul3A_213 = arith.muli %scan3A_112, %mul3A_212 : i32
      %add3A_214 = arith.constant 96 : i32
      %add3A_215 = arith.addi %mul3A_213, %add3A_214 : i32
      %get3A_216 = arith.index_cast %add3A_215 : i32 to index
      %get3A_217 = tpu.vector_load %arg7[%get3A_216] {strides = array<i32>} : memref<6400xi32, #tpu.memory_space<vmem>>, vector<16xi32>,
      %mul3A_218 = arith.constant 1024 : i32
      %mul3A_219 = arith.muli %scan3A_112, %mul3A_218 : i32
      %add3A_220 = vector.broadcast %mul3A_219 : i32 to vector<16xi32>
      %add3A_221 = arith.addi %get3A_217, %add3A_220 : vector<16xi32>
      %gather3A_222 = tpu.vector_load_idx %arg5[%add3A_221] : memref<32768xf32, #tpu.memory_space<vmem>>[vector<16xi32>], vector<16xf32>,
      %mul3A_223 = arith.constant 200 : i32
      %mul3A_224 = arith.muli %scan3A_112, %mul3A_223 : i32
      %add3A_225 = arith.constant 96 : i32
      %add3A_226 = arith.addi %mul3A_224, %add3A_225 : i32
      %swap3A_227 = arith.index_cast %add3A_226 : i32 to index
      %swap3A_228 = tpu.vector_load %arg9[%swap3A_227] {strides = array<i32>} : memref<6400xf32, #tpu.memory_space<vmem>>, vector<16xf32>,
      tpu.vector_store %arg9[%swap3A_227], %gather3A_222 {strides = array<i32>} : memref<6400xf32, #tpu.memory_space<vmem>>, vector<16xf32>,
      %mul3A_229 = arith.constant 200 : i32
      %mul3A_230 = arith.muli %scan3A_112, %mul3A_229 : i32
      %add3A_231 = arith.constant 112 : i32
      %add3A_232 = arith.addi %mul3A_230, %add3A_231 : i32
      %get3A_233 = arith.index_cast %add3A_232 : i32 to index
      %get3A_234 = tpu.vector_load %arg7[%get3A_233] {strides = array<i32>} : memref<6400xi32, #tpu.memory_space<vmem>>, vector<16xi32>,
      %mul3A_235 = arith.constant 1024 : i32
      %mul3A_236 = arith.muli %scan3A_112, %mul3A_235 : i32
      %add3A_237 = vector.broadcast %mul3A_236 : i32 to vector<16xi32>
      %add3A_238 = arith.addi %get3A_234, %add3A_237 : vector<16xi32>
      %gather3A_239 = tpu.vector_load_idx %arg5[%add3A_238] : memref<32768xf32, #tpu.memory_space<vmem>>[vector<16xi32>], vector<16xf32>,
      %mul3A_240 = arith.constant 200 : i32
      %mul3A_241 = arith.muli %scan3A_112, %mul3A_240 : i32
      %add3A_242 = arith.constant 112 : i32
      %add3A_243 = arith.addi %mul3A_241, %add3A_242 : i32
      %swap3A_244 = arith.index_cast %add3A_243 : i32 to index
      %swap3A_245 = tpu.vector_load %arg9[%swap3A_244] {strides = array<i32>} : memref<6400xf32, #tpu.memory_space<vmem>>, vector<16xf32>,
      tpu.vector_store %arg9[%swap3A_244], %gather3A_239 {strides = array<i32>} : memref<6400xf32, #tpu.memory_space<vmem>>, vector<16xf32>,
      %mul3A_246 = arith.constant 200 : i32
      %mul3A_247 = arith.muli %scan3A_112, %mul3A_246 : i32
      %add3A_248 = arith.constant 128 : i32
      %add3A_249 = arith.addi %mul3A_247, %add3A_248 : i32
      %get3A_250 = arith.index_cast %add3A_249 : i32 to index
      %get3A_251 = tpu.vector_load %arg7[%get3A_250] {strides = array<i32>} : memref<6400xi32, #tpu.memory_space<vmem>>, vector<16xi32>,
      %mul3A_252 = arith.constant 1024 : i32
      %mul3A_253 = arith.muli %scan3A_112, %mul3A_252 : i32
      %add3A_254 = vector.broadcast %mul3A_253 : i32 to vector<16xi32>
      %add3A_255 = arith.addi %get3A_251, %add3A_254 : vector<16xi32>
      %gather3A_256 = tpu.vector_load_idx %arg5[%add3A_255] : memref<32768xf32, #tpu.memory_space<vmem>>[vector<16xi32>], vector<16xf32>,
      %mul3A_257 = arith.constant 200 : i32
      %mul3A_258 = arith.muli %scan3A_112, %mul3A_257 : i32
      %add3A_259 = arith.constant 128 : i32
      %add3A_260 = arith.addi %mul3A_258, %add3A_259 : i32
      %swap3A_261 = arith.index_cast %add3A_260 : i32 to index
      %swap3A_262 = tpu.vector_load %arg9[%swap3A_261] {strides = array<i32>} : memref<6400xf32, #tpu.memory_space<vmem>>, vector<16xf32>,
      tpu.vector_store %arg9[%swap3A_261], %gather3A_256 {strides = array<i32>} : memref<6400xf32, #tpu.memory_space<vmem>>, vector<16xf32>,
      %mul3A_263 = arith.constant 200 : i32
      %mul3A_264 = arith.muli %scan3A_112, %mul3A_263 : i32
      %add3A_265 = arith.constant 144 : i32
      %add3A_266 = arith.addi %mul3A_264, %add3A_265 : i32
      %get3A_267 = arith.index_cast %add3A_266 : i32 to index
      %get3A_268 = tpu.vector_load %arg7[%get3A_267] {strides = array<i32>} : memref<6400xi32, #tpu.memory_space<vmem>>, vector<16xi32>,
      %mul3A_269 = arith.constant 1024 : i32
      %mul3A_270 = arith.muli %scan3A_112, %mul3A_269 : i32
      %add3A_271 = vector.broadcast %mul3A_270 : i32 to vector<16xi32>
      %add3A_272 = arith.addi %get3A_268, %add3A_271 : vector<16xi32>
      %gather3A_273 = tpu.vector_load_idx %arg5[%add3A_272] : memref<32768xf32, #tpu.memory_space<vmem>>[vector<16xi32>], vector<16xf32>,
      %mul3A_274 = arith.constant 200 : i32
      %mul3A_275 = arith.muli %scan3A_112, %mul3A_274 : i32
      %add3A_276 = arith.constant 144 : i32
      %add3A_277 = arith.addi %mul3A_275, %add3A_276 : i32
      %swap3A_278 = arith.index_cast %add3A_277 : i32 to index
      %swap3A_279 = tpu.vector_load %arg9[%swap3A_278] {strides = array<i32>} : memref<6400xf32, #tpu.memory_space<vmem>>, vector<16xf32>,
      tpu.vector_store %arg9[%swap3A_278], %gather3A_273 {strides = array<i32>} : memref<6400xf32, #tpu.memory_space<vmem>>, vector<16xf32>,
      %mul3A_280 = arith.constant 200 : i32
      %mul3A_281 = arith.muli %scan3A_112, %mul3A_280 : i32
      %add3A_282 = arith.constant 160 : i32
      %add3A_283 = arith.addi %mul3A_281, %add3A_282 : i32
      %get3A_284 = arith.index_cast %add3A_283 : i32 to index
      %get3A_285 = tpu.vector_load %arg7[%get3A_284] {strides = array<i32>} : memref<6400xi32, #tpu.memory_space<vmem>>, vector<16xi32>,
      %mul3A_286 = arith.constant 1024 : i32
      %mul3A_287 = arith.muli %scan3A_112, %mul3A_286 : i32
      %add3A_288 = vector.broadcast %mul3A_287 : i32 to vector<16xi32>
      %add3A_289 = arith.addi %get3A_285, %add3A_288 : vector<16xi32>
      %gather3A_290 = tpu.vector_load_idx %arg5[%add3A_289] : memref<32768xf32, #tpu.memory_space<vmem>>[vector<16xi32>], vector<16xf32>,
      %mul3A_291 = arith.constant 200 : i32
      %mul3A_292 = arith.muli %scan3A_112, %mul3A_291 : i32
      %add3A_293 = arith.constant 160 : i32
      %add3A_294 = arith.addi %mul3A_292, %add3A_293 : i32
      %swap3A_295 = arith.index_cast %add3A_294 : i32 to index
      %swap3A_296 = tpu.vector_load %arg9[%swap3A_295] {strides = array<i32>} : memref<6400xf32, #tpu.memory_space<vmem>>, vector<16xf32>,
      tpu.vector_store %arg9[%swap3A_295], %gather3A_290 {strides = array<i32>} : memref<6400xf32, #tpu.memory_space<vmem>>, vector<16xf32>,
      %mul3A_297 = arith.constant 200 : i32
      %mul3A_298 = arith.muli %scan3A_112, %mul3A_297 : i32
      %add3A_299 = arith.constant 176 : i32
      %add3A_300 = arith.addi %mul3A_298, %add3A_299 : i32
      %get3A_301 = arith.index_cast %add3A_300 : i32 to index
      %get3A_302 = tpu.vector_load %arg7[%get3A_301] {strides = array<i32>} : memref<6400xi32, #tpu.memory_space<vmem>>, vector<16xi32>,
      %mul3A_303 = arith.constant 1024 : i32
      %mul3A_304 = arith.muli %scan3A_112, %mul3A_303 : i32
      %add3A_305 = vector.broadcast %mul3A_304 : i32 to vector<16xi32>
      %add3A_306 = arith.addi %get3A_302, %add3A_305 : vector<16xi32>
      %gather3A_307 = tpu.vector_load_idx %arg5[%add3A_306] : memref<32768xf32, #tpu.memory_space<vmem>>[vector<16xi32>], vector<16xf32>,
      %mul3A_308 = arith.constant 200 : i32
      %mul3A_309 = arith.muli %scan3A_112, %mul3A_308 : i32
      %add3A_310 = arith.constant 176 : i32
      %add3A_311 = arith.addi %mul3A_309, %add3A_310 : i32
      %swap3A_312 = arith.index_cast %add3A_311 : i32 to index
      %swap3A_313 = tpu.vector_load %arg9[%swap3A_312] {strides = array<i32>} : memref<6400xf32, #tpu.memory_space<vmem>>, vector<16xf32>,
      tpu.vector_store %arg9[%swap3A_312], %gather3A_307 {strides = array<i32>} : memref<6400xf32, #tpu.memory_space<vmem>>, vector<16xf32>,
      %mul3A_314 = arith.constant 200 : i32
      %mul3A_315 = arith.muli %scan3A_112, %mul3A_314 : i32
      %add3A_316 = arith.constant 184 : i32
      %add3A_317 = arith.addi %mul3A_315, %add3A_316 : i32
      %get3A_318 = arith.index_cast %add3A_317 : i32 to index
      %get3A_319 = tpu.vector_load %arg7[%get3A_318] {strides = array<i32>} : memref<6400xi32, #tpu.memory_space<vmem>>, vector<16xi32>,
      %mul3A_320 = arith.constant 1024 : i32
      %mul3A_321 = arith.muli %scan3A_112, %mul3A_320 : i32
      %add3A_322 = vector.broadcast %mul3A_321 : i32 to vector<16xi32>
      %add3A_323 = arith.addi %get3A_319, %add3A_322 : vector<16xi32>
      %gather3A_324 = tpu.vector_load_idx %arg5[%add3A_323] : memref<32768xf32, #tpu.memory_space<vmem>>[vector<16xi32>], vector<16xf32>,
      %mul3A_325 = arith.constant 200 : i32
      %mul3A_326 = arith.muli %scan3A_112, %mul3A_325 : i32
      %add3A_327 = arith.constant 184 : i32
      %add3A_328 = arith.addi %mul3A_326, %add3A_327 : i32
      %swap3A_329 = arith.index_cast %add3A_328 : i32 to index
      %swap3A_330 = tpu.vector_load %arg9[%swap3A_329] {strides = array<i32>} : memref<6400xf32, #tpu.memory_space<vmem>>, vector<16xf32>,
      tpu.vector_store %arg9[%swap3A_329], %gather3A_324 {strides = array<i32>} : memref<6400xf32, #tpu.memory_space<vmem>>, vector<16xf32>,
    }
    %scan3A_83 = arith.constant 32 : i32
    %add3A_84 = arith.constant 64 : i32
    %add3A_85 = arith.addi %mul3A_2, %add3A_84 : i32
    %mul3A_86 = arith.constant 200 : i32
    %mul3A_87 = arith.muli %add3A_85, %mul3A_86 : i32
    %dma_start3A_88 = tpu.memref_slice %arg4[%mul3A_87] : memref<819200xf32, #tpu.memory_space<hbm>> -> memref<6400xf32, #tpu.memory_space<hbm>>
    %dma_start3A_89 = tpu.memref_slice %arg4[%mul3A_87] : memref<819200xf32, #tpu.memory_space<hbm>> -> memref<6400xf32, #tpu.memory_space<hbm>>
    tpu.enqueue_dma source(%arg9 : memref<6400xf32, #tpu.memory_space<vmem>>) target(%dma_start3A_89 : memref<6400xf32, #tpu.memory_space<hbm>>) target_semaphore(%arg15 : memref<!tpu.dma_semaphore, #tpu.memory_space<semaphore_mem>>)
    %dma_wait3A_90 = tpu.memref_slice %arg2[%mul3A_65] : memref<4194304xf32, #tpu.memory_space<hbm>> -> memref<32768xf32, #tpu.memory_space<hbm>>
    %dma_wait3A_91 = tpu.memref_slice %arg2[%mul3A_65] : memref<4194304xf32, #tpu.memory_space<hbm>> -> memref<32768xf32, #tpu.memory_space<hbm>>
    tpu.wait_dma2 semaphore(%arg12 : memref<!tpu.dma_semaphore, #tpu.memory_space<semaphore_mem>>) src(%dma_wait3A_91 : memref<32768xf32, #tpu.memory_space<hbm>>) dst(%arg6 : memref<32768xf32, #tpu.memory_space<vmem>>)
    %dma_wait3A_92 = tpu.memref_slice %arg3[%mul3A_69] : memref<819200xi32, #tpu.memory_space<hbm>> -> memref<6400xi32, #tpu.memory_space<hbm>>
    %dma_wait3A_93 = tpu.memref_slice %arg3[%mul3A_69] : memref<819200xi32, #tpu.memory_space<hbm>> -> memref<6400xi32, #tpu.memory_space<hbm>>
    tpu.wait_dma2 semaphore(%arg14 : memref<!tpu.dma_semaphore, #tpu.memory_space<semaphore_mem>>) src(%dma_wait3A_93 : memref<6400xi32, #tpu.memory_space<hbm>>) dst(%arg8 : memref<6400xi32, #tpu.memory_space<vmem>>)
    %dma_wait3A_94 = tpu.memref_slice %arg4[%mul3A_59] : memref<819200xf32, #tpu.memory_space<hbm>> -> memref<6400xf32, #tpu.memory_space<hbm>>
    %dma_wait3A_95 = tpu.memref_slice %arg4[%mul3A_59] : memref<819200xf32, #tpu.memory_space<hbm>> -> memref<6400xf32, #tpu.memory_space<hbm>>
    tpu.wait_dma2 semaphore(%arg16 : memref<!tpu.dma_semaphore, #tpu.memory_space<semaphore_mem>>) src(%arg10 : memref<6400xf32, #tpu.memory_space<vmem>>) dst(%dma_wait3A_95 : memref<6400xf32, #tpu.memory_space<hbm>>)
    %scan3A_96 = arith.constant 0 : i32
    %scan3A_97 = arith.constant 0 : i32
    %scan3A_98 = arith.constant 32 : i32
    %scan3A_99 = arith.addi %scan3A_97, %scan3A_98 : i32
    %scan3A_100 = arith.constant 1 : i32
    scf.for %scan3A_112 = %scan3A_97 to %scan3A_99 step %scan3A_100  : i32 {
      %mul3A_113 = arith.constant 200 : i32
      %mul3A_114 = arith.muli %scan3A_112, %mul3A_113 : i32
      %add3A_115 = arith.constant 0 : i32
      %add3A_116 = arith.addi %mul3A_114, %add3A_115 : i32
      %get3A = arith.index_cast %add3A_116 : i32 to index
      %get3A_117 = tpu.vector_load %arg8[%get3A] {strides = array<i32>} : memref<6400xi32, #tpu.memory_space<vmem>>, vector<16xi32>,
      %mul3A_118 = arith.constant 1024 : i32
      %mul3A_119 = arith.muli %scan3A_112, %mul3A_118 : i32
      %add3A_120 = vector.broadcast %mul3A_119 : i32 to vector<16xi32>
      %add3A_121 = arith.addi %get3A_117, %add3A_120 : vector<16xi32>
      %gather3A = tpu.vector_load_idx %arg6[%add3A_121] : memref<32768xf32, #tpu.memory_space<vmem>>[vector<16xi32>], vector<16xf32>,
      %mul3A_122 = arith.constant 200 : i32
      %mul3A_123 = arith.muli %scan3A_112, %mul3A_122 : i32
      %add3A_124 = arith.constant 0 : i32
      %add3A_125 = arith.addi %mul3A_123, %add3A_124 : i32
      %swap3A = arith.index_cast %add3A_125 : i32 to index
      %swap3A_126 = tpu.vector_load %arg10[%swap3A] {strides = array<i32>} : memref<6400xf32, #tpu.memory_space<vmem>>, vector<16xf32>,
      tpu.vector_store %arg10[%swap3A], %gather3A {strides = array<i32>} : memref<6400xf32, #tpu.memory_space<vmem>>, vector<16xf32>,
      %mul3A_127 = arith.constant 200 : i32
      %mul3A_128 = arith.muli %scan3A_112, %mul3A_127 : i32
      %add3A_129 = arith.constant 16 : i32
      %add3A_130 = arith.addi %mul3A_128, %add3A_129 : i32
      %get3A_131 = arith.index_cast %add3A_130 : i32 to index
      %get3A_132 = tpu.vector_load %arg8[%get3A_131] {strides = array<i32>} : memref<6400xi32, #tpu.memory_space<vmem>>, vector<16xi32>,
      %mul3A_133 = arith.constant 1024 : i32
      %mul3A_134 = arith.muli %scan3A_112, %mul3A_133 : i32
      %add3A_135 = vector.broadcast %mul3A_134 : i32 to vector<16xi32>
      %add3A_136 = arith.addi %get3A_132, %add3A_135 : vector<16xi32>
      %gather3A_137 = tpu.vector_load_idx %arg6[%add3A_136] : memref<32768xf32, #tpu.memory_space<vmem>>[vector<16xi32>], vector<16xf32>,
      %mul3A_138 = arith.constant 200 : i32
      %mul3A_139 = arith.muli %scan3A_112, %mul3A_138 : i32
      %add3A_140 = arith.constant 16 : i32
      %add3A_141 = arith.addi %mul3A_139, %add3A_140 : i32
      %swap3A_142 = arith.index_cast %add3A_141 : i32 to index
      %swap3A_143 = tpu.vector_load %arg10[%swap3A_142] {strides = array<i32>} : memref<6400xf32, #tpu.memory_space<vmem>>, vector<16xf32>,
      tpu.vector_store %arg10[%swap3A_142], %gather3A_137 {strides = array<i32>} : memref<6400xf32, #tpu.memory_space<vmem>>, vector<16xf32>,
      %mul3A_144 = arith.constant 200 : i32
      %mul3A_145 = arith.muli %scan3A_112, %mul3A_144 : i32
      %add3A_146 = arith.constant 32 : i32
      %add3A_147 = arith.addi %mul3A_145, %add3A_146 : i32
      %get3A_148 = arith.index_cast %add3A_147 : i32 to index
      %get3A_149 = tpu.vector_load %arg8[%get3A_148] {strides = array<i32>} : memref<6400xi32, #tpu.memory_space<vmem>>, vector<16xi32>,
      %mul3A_150 = arith.constant 1024 : i32
      %mul3A_151 = arith.muli %scan3A_112, %mul3A_150 : i32
      %add3A_152 = vector.broadcast %mul3A_151 : i32 to vector<16xi32>
      %add3A_153 = arith.addi %get3A_149, %add3A_152 : vector<16xi32>
      %gather3A_154 = tpu.vector_load_idx %arg6[%add3A_153] : memref<32768xf32, #tpu.memory_space<vmem>>[vector<16xi32>], vector<16xf32>,
      %mul3A_155 = arith.constant 200 : i32
      %mul3A_156 = arith.muli %scan3A_112, %mul3A_155 : i32
      %add3A_157 = arith.constant 32 : i32
      %add3A_158 = arith.addi %mul3A_156, %add3A_157 : i32
      %swap3A_159 = arith.index_cast %add3A_158 : i32 to index
      %swap3A_160 = tpu.vector_load %arg10[%swap3A_159] {strides = array<i32>} : memref<6400xf32, #tpu.memory_space<vmem>>, vector<16xf32>,
      tpu.vector_store %arg10[%swap3A_159], %gather3A_154 {strides = array<i32>} : memref<6400xf32, #tpu.memory_space<vmem>>, vector<16xf32>,
      %mul3A_161 = arith.constant 200 : i32
      %mul3A_162 = arith.muli %scan3A_112, %mul3A_161 : i32
      %add3A_163 = arith.constant 48 : i32
      %add3A_164 = arith.addi %mul3A_162, %add3A_163 : i32
      %get3A_165 = arith.index_cast %add3A_164 : i32 to index
      %get3A_166 = tpu.vector_load %arg8[%get3A_165] {strides = array<i32>} : memref<6400xi32, #tpu.memory_space<vmem>>, vector<16xi32>,
      %mul3A_167 = arith.constant 1024 : i32
      %mul3A_168 = arith.muli %scan3A_112, %mul3A_167 : i32
      %add3A_169 = vector.broadcast %mul3A_168 : i32 to vector<16xi32>
      %add3A_170 = arith.addi %get3A_166, %add3A_169 : vector<16xi32>
      %gather3A_171 = tpu.vector_load_idx %arg6[%add3A_170] : memref<32768xf32, #tpu.memory_space<vmem>>[vector<16xi32>], vector<16xf32>,
      %mul3A_172 = arith.constant 200 : i32
      %mul3A_173 = arith.muli %scan3A_112, %mul3A_172 : i32
      %add3A_174 = arith.constant 48 : i32
      %add3A_175 = arith.addi %mul3A_173, %add3A_174 : i32
      %swap3A_176 = arith.index_cast %add3A_175 : i32 to index
      %swap3A_177 = tpu.vector_load %arg10[%swap3A_176] {strides = array<i32>} : memref<6400xf32, #tpu.memory_space<vmem>>, vector<16xf32>,
      tpu.vector_store %arg10[%swap3A_176], %gather3A_171 {strides = array<i32>} : memref<6400xf32, #tpu.memory_space<vmem>>, vector<16xf32>,
      %mul3A_178 = arith.constant 200 : i32
      %mul3A_179 = arith.muli %scan3A_112, %mul3A_178 : i32
      %add3A_180 = arith.constant 64 : i32
      %add3A_181 = arith.addi %mul3A_179, %add3A_180 : i32
      %get3A_182 = arith.index_cast %add3A_181 : i32 to index
      %get3A_183 = tpu.vector_load %arg8[%get3A_182] {strides = array<i32>} : memref<6400xi32, #tpu.memory_space<vmem>>, vector<16xi32>,
      %mul3A_184 = arith.constant 1024 : i32
      %mul3A_185 = arith.muli %scan3A_112, %mul3A_184 : i32
      %add3A_186 = vector.broadcast %mul3A_185 : i32 to vector<16xi32>
      %add3A_187 = arith.addi %get3A_183, %add3A_186 : vector<16xi32>
      %gather3A_188 = tpu.vector_load_idx %arg6[%add3A_187] : memref<32768xf32, #tpu.memory_space<vmem>>[vector<16xi32>], vector<16xf32>,
      %mul3A_189 = arith.constant 200 : i32
      %mul3A_190 = arith.muli %scan3A_112, %mul3A_189 : i32
      %add3A_191 = arith.constant 64 : i32
      %add3A_192 = arith.addi %mul3A_190, %add3A_191 : i32
      %swap3A_193 = arith.index_cast %add3A_192 : i32 to index
      %swap3A_194 = tpu.vector_load %arg10[%swap3A_193] {strides = array<i32>} : memref<6400xf32, #tpu.memory_space<vmem>>, vector<16xf32>,
      tpu.vector_store %arg10[%swap3A_193], %gather3A_188 {strides = array<i32>} : memref<6400xf32, #tpu.memory_space<vmem>>, vector<16xf32>,
      %mul3A_195 = arith.constant 200 : i32
      %mul3A_196 = arith.muli %scan3A_112, %mul3A_195 : i32
      %add3A_197 = arith.constant 80 : i32
      %add3A_198 = arith.addi %mul3A_196, %add3A_197 : i32
      %get3A_199 = arith.index_cast %add3A_198 : i32 to index
      %get3A_200 = tpu.vector_load %arg8[%get3A_199] {strides = array<i32>} : memref<6400xi32, #tpu.memory_space<vmem>>, vector<16xi32>,
      %mul3A_201 = arith.constant 1024 : i32
      %mul3A_202 = arith.muli %scan3A_112, %mul3A_201 : i32
      %add3A_203 = vector.broadcast %mul3A_202 : i32 to vector<16xi32>
      %add3A_204 = arith.addi %get3A_200, %add3A_203 : vector<16xi32>
      %gather3A_205 = tpu.vector_load_idx %arg6[%add3A_204] : memref<32768xf32, #tpu.memory_space<vmem>>[vector<16xi32>], vector<16xf32>,
      %mul3A_206 = arith.constant 200 : i32
      %mul3A_207 = arith.muli %scan3A_112, %mul3A_206 : i32
      %add3A_208 = arith.constant 80 : i32
      %add3A_209 = arith.addi %mul3A_207, %add3A_208 : i32
      %swap3A_210 = arith.index_cast %add3A_209 : i32 to index
      %swap3A_211 = tpu.vector_load %arg10[%swap3A_210] {strides = array<i32>} : memref<6400xf32, #tpu.memory_space<vmem>>, vector<16xf32>,
      tpu.vector_store %arg10[%swap3A_210], %gather3A_205 {strides = array<i32>} : memref<6400xf32, #tpu.memory_space<vmem>>, vector<16xf32>,
      %mul3A_212 = arith.constant 200 : i32
      %mul3A_213 = arith.muli %scan3A_112, %mul3A_212 : i32
      %add3A_214 = arith.constant 96 : i32
      %add3A_215 = arith.addi %mul3A_213, %add3A_214 : i32
      %get3A_216 = arith.index_cast %add3A_215 : i32 to index
      %get3A_217 = tpu.vector_load %arg8[%get3A_216] {strides = array<i32>} : memref<6400xi32, #tpu.memory_space<vmem>>, vector<16xi32>,
      %mul3A_218 = arith.constant 1024 : i32
      %mul3A_219 = arith.muli %scan3A_112, %mul3A_218 : i32
      %add3A_220 = vector.broadcast %mul3A_219 : i32 to vector<16xi32>
      %add3A_221 = arith.addi %get3A_217, %add3A_220 : vector<16xi32>
      %gather3A_222 = tpu.vector_load_idx %arg6[%add3A_221] : memref<32768xf32, #tpu.memory_space<vmem>>[vector<16xi32>], vector<16xf32>,
      %mul3A_223 = arith.constant 200 : i32
      %mul3A_224 = arith.muli %scan3A_112, %mul3A_223 : i32
      %add3A_225 = arith.constant 96 : i32
      %add3A_226 = arith.addi %mul3A_224, %add3A_225 : i32
      %swap3A_227 = arith.index_cast %add3A_226 : i32 to index
      %swap3A_228 = tpu.vector_load %arg10[%swap3A_227] {strides = array<i32>} : memref<6400xf32, #tpu.memory_space<vmem>>, vector<16xf32>,
      tpu.vector_store %arg10[%swap3A_227], %gather3A_222 {strides = array<i32>} : memref<6400xf32, #tpu.memory_space<vmem>>, vector<16xf32>,
      %mul3A_229 = arith.constant 200 : i32
      %mul3A_230 = arith.muli %scan3A_112, %mul3A_229 : i32
      %add3A_231 = arith.constant 112 : i32
      %add3A_232 = arith.addi %mul3A_230, %add3A_231 : i32
      %get3A_233 = arith.index_cast %add3A_232 : i32 to index
      %get3A_234 = tpu.vector_load %arg8[%get3A_233] {strides = array<i32>} : memref<6400xi32, #tpu.memory_space<vmem>>, vector<16xi32>,
      %mul3A_235 = arith.constant 1024 : i32
      %mul3A_236 = arith.muli %scan3A_112, %mul3A_235 : i32
      %add3A_237 = vector.broadcast %mul3A_236 : i32 to vector<16xi32>
      %add3A_238 = arith.addi %get3A_234, %add3A_237 : vector<16xi32>
      %gather3A_239 = tpu.vector_load_idx %arg6[%add3A_238] : memref<32768xf32, #tpu.memory_space<vmem>>[vector<16xi32>], vector<16xf32>,
      %mul3A_240 = arith.constant 200 : i32
      %mul3A_241 = arith.muli %scan3A_112, %mul3A_240 : i32
      %add3A_242 = arith.constant 112 : i32
      %add3A_243 = arith.addi %mul3A_241, %add3A_242 : i32
      %swap3A_244 = arith.index_cast %add3A_243 : i32 to index
      %swap3A_245 = tpu.vector_load %arg10[%swap3A_244] {strides = array<i32>} : memref<6400xf32, #tpu.memory_space<vmem>>, vector<16xf32>,
      tpu.vector_store %arg10[%swap3A_244], %gather3A_239 {strides = array<i32>} : memref<6400xf32, #tpu.memory_space<vmem>>, vector<16xf32>,
      %mul3A_246 = arith.constant 200 : i32
      %mul3A_247 = arith.muli %scan3A_112, %mul3A_246 : i32
      %add3A_248 = arith.constant 128 : i32
      %add3A_249 = arith.addi %mul3A_247, %add3A_248 : i32
      %get3A_250 = arith.index_cast %add3A_249 : i32 to index
      %get3A_251 = tpu.vector_load %arg8[%get3A_250] {strides = array<i32>} : memref<6400xi32, #tpu.memory_space<vmem>>, vector<16xi32>,
      %mul3A_252 = arith.constant 1024 : i32
      %mul3A_253 = arith.muli %scan3A_112, %mul3A_252 : i32
      %add3A_254 = vector.broadcast %mul3A_253 : i32 to vector<16xi32>
      %add3A_255 = arith.addi %get3A_251, %add3A_254 : vector<16xi32>
      %gather3A_256 = tpu.vector_load_idx %arg6[%add3A_255] : memref<32768xf32, #tpu.memory_space<vmem>>[vector<16xi32>], vector<16xf32>,
      %mul3A_257 = arith.constant 200 : i32
      %mul3A_258 = arith.muli %scan3A_112, %mul3A_257 : i32
      %add3A_259 = arith.constant 128 : i32
      %add3A_260 = arith.addi %mul3A_258, %add3A_259 : i32
      %swap3A_261 = arith.index_cast %add3A_260 : i32 to index
      %swap3A_262 = tpu.vector_load %arg10[%swap3A_261] {strides = array<i32>} : memref<6400xf32, #tpu.memory_space<vmem>>, vector<16xf32>,
      tpu.vector_store %arg10[%swap3A_261], %gather3A_256 {strides = array<i32>} : memref<6400xf32, #tpu.memory_space<vmem>>, vector<16xf32>,
      %mul3A_263 = arith.constant 200 : i32
      %mul3A_264 = arith.muli %scan3A_112, %mul3A_263 : i32
      %add3A_265 = arith.constant 144 : i32
      %add3A_266 = arith.addi %mul3A_264, %add3A_265 : i32
      %get3A_267 = arith.index_cast %add3A_266 : i32 to index
      %get3A_268 = tpu.vector_load %arg8[%get3A_267] {strides = array<i32>} : memref<6400xi32, #tpu.memory_space<vmem>>, vector<16xi32>,
      %mul3A_269 = arith.constant 1024 : i32
      %mul3A_270 = arith.muli %scan3A_112, %mul3A_269 : i32
      %add3A_271 = vector.broadcast %mul3A_270 : i32 to vector<16xi32>
      %add3A_272 = arith.addi %get3A_268, %add3A_271 : vector<16xi32>
      %gather3A_273 = tpu.vector_load_idx %arg6[%add3A_272] : memref<32768xf32, #tpu.memory_space<vmem>>[vector<16xi32>], vector<16xf32>,
      %mul3A_274 = arith.constant 200 : i32
      %mul3A_275 = arith.muli %scan3A_112, %mul3A_274 : i32
      %add3A_276 = arith.constant 144 : i32
      %add3A_277 = arith.addi %mul3A_275, %add3A_276 : i32
      %swap3A_278 = arith.index_cast %add3A_277 : i32 to index
      %swap3A_279 = tpu.vector_load %arg10[%swap3A_278] {strides = array<i32>} : memref<6400xf32, #tpu.memory_space<vmem>>, vector<16xf32>,
      tpu.vector_store %arg10[%swap3A_278], %gather3A_273 {strides = array<i32>} : memref<6400xf32, #tpu.memory_space<vmem>>, vector<16xf32>,
      %mul3A_280 = arith.constant 200 : i32
      %mul3A_281 = arith.muli %scan3A_112, %mul3A_280 : i32
      %add3A_282 = arith.constant 160 : i32
      %add3A_283 = arith.addi %mul3A_281, %add3A_282 : i32
      %get3A_284 = arith.index_cast %add3A_283 : i32 to index
      %get3A_285 = tpu.vector_load %arg8[%get3A_284] {strides = array<i32>} : memref<6400xi32, #tpu.memory_space<vmem>>, vector<16xi32>,
      %mul3A_286 = arith.constant 1024 : i32
      %mul3A_287 = arith.muli %scan3A_112, %mul3A_286 : i32
      %add3A_288 = vector.broadcast %mul3A_287 : i32 to vector<16xi32>
      %add3A_289 = arith.addi %get3A_285, %add3A_288 : vector<16xi32>
      %gather3A_290 = tpu.vector_load_idx %arg6[%add3A_289] : memref<32768xf32, #tpu.memory_space<vmem>>[vector<16xi32>], vector<16xf32>,
      %mul3A_291 = arith.constant 200 : i32
      %mul3A_292 = arith.muli %scan3A_112, %mul3A_291 : i32
      %add3A_293 = arith.constant 160 : i32
      %add3A_294 = arith.addi %mul3A_292, %add3A_293 : i32
      %swap3A_295 = arith.index_cast %add3A_294 : i32 to index
      %swap3A_296 = tpu.vector_load %arg10[%swap3A_295] {strides = array<i32>} : memref<6400xf32, #tpu.memory_space<vmem>>, vector<16xf32>,
      tpu.vector_store %arg10[%swap3A_295], %gather3A_290 {strides = array<i32>} : memref<6400xf32, #tpu.memory_space<vmem>>, vector<16xf32>,
      %mul3A_297 = arith.constant 200 : i32
      %mul3A_298 = arith.muli %scan3A_112, %mul3A_297 : i32
      %add3A_299 = arith.constant 176 : i32
      %add3A_300 = arith.addi %mul3A_298, %add3A_299 : i32
      %get3A_301 = arith.index_cast %add3A_300 : i32 to index
      %get3A_302 = tpu.vector_load %arg8[%get3A_301] {strides = array<i32>} : memref<6400xi32, #tpu.memory_space<vmem>>, vector<16xi32>,
      %mul3A_303 = arith.constant 1024 : i32
      %mul3A_304 = arith.muli %scan3A_112, %mul3A_303 : i32
      %add3A_305 = vector.broadcast %mul3A_304 : i32 to vector<16xi32>
      %add3A_306 = arith.addi %get3A_302, %add3A_305 : vector<16xi32>
      %gather3A_307 = tpu.vector_load_idx %arg6[%add3A_306] : memref<32768xf32, #tpu.memory_space<vmem>>[vector<16xi32>], vector<16xf32>,
      %mul3A_308 = arith.constant 200 : i32
      %mul3A_309 = arith.muli %scan3A_112, %mul3A_308 : i32
      %add3A_310 = arith.constant 176 : i32
      %add3A_311 = arith.addi %mul3A_309, %add3A_310 : i32
      %swap3A_312 = arith.index_cast %add3A_311 : i32 to index
      %swap3A_313 = tpu.vector_load %arg10[%swap3A_312] {strides = array<i32>} : memref<6400xf32, #tpu.memory_space<vmem>>, vector<16xf32>,
      tpu.vector_store %arg10[%swap3A_312], %gather3A_307 {strides = array<i32>} : memref<6400xf32, #tpu.memory_space<vmem>>, vector<16xf32>,
      %mul3A_314 = arith.constant 200 : i32
      %mul3A_315 = arith.muli %scan3A_112, %mul3A_314 : i32
      %add3A_316 = arith.constant 184 : i32
      %add3A_317 = arith.addi %mul3A_315, %add3A_316 : i32
      %get3A_318 = arith.index_cast %add3A_317 : i32 to index
      %get3A_319 = tpu.vector_load %arg8[%get3A_318] {strides = array<i32>} : memref<6400xi32, #tpu.memory_space<vmem>>, vector<16xi32>,
      %mul3A_320 = arith.constant 1024 : i32
      %mul3A_321 = arith.muli %scan3A_112, %mul3A_320 : i32
      %add3A_322 = vector.broadcast %mul3A_321 : i32 to vector<16xi32>
      %add3A_323 = arith.addi %get3A_319, %add3A_322 : vector<16xi32>
      %gather3A_324 = tpu.vector_load_idx %arg6[%add3A_323] : memref<32768xf32, #tpu.memory_space<vmem>>[vector<16xi32>], vector<16xf32>,
      %mul3A_325 = arith.constant 200 : i32
      %mul3A_326 = arith.muli %scan3A_112, %mul3A_325 : i32
      %add3A_327 = arith.constant 184 : i32
      %add3A_328 = arith.addi %mul3A_326, %add3A_327 : i32
      %swap3A_329 = arith.index_cast %add3A_328 : i32 to index
      %swap3A_330 = tpu.vector_load %arg10[%swap3A_329] {strides = array<i32>} : memref<6400xf32, #tpu.memory_space<vmem>>, vector<16xf32>,
      tpu.vector_store %arg10[%swap3A_329], %gather3A_324 {strides = array<i32>} : memref<6400xf32, #tpu.memory_space<vmem>>, vector<16xf32>,
    }
    %scan3A_101 = arith.constant 32 : i32
    %add3A_102 = arith.constant 96 : i32
    %add3A_103 = arith.addi %mul3A_2, %add3A_102 : i32
    %mul3A_104 = arith.constant 200 : i32
    %mul3A_105 = arith.muli %add3A_103, %mul3A_104 : i32
    %dma_start3A_106 = tpu.memref_slice %arg4[%mul3A_105] : memref<819200xf32, #tpu.memory_space<hbm>> -> memref<6400xf32, #tpu.memory_space<hbm>>
    %dma_start3A_107 = tpu.memref_slice %arg4[%mul3A_105] : memref<819200xf32, #tpu.memory_space<hbm>> -> memref<6400xf32, #tpu.memory_space<hbm>>
    tpu.enqueue_dma source(%arg10 : memref<6400xf32, #tpu.memory_space<vmem>>) target(%dma_start3A_107 : memref<6400xf32, #tpu.memory_space<hbm>>) target_semaphore(%arg16 : memref<!tpu.dma_semaphore, #tpu.memory_space<semaphore_mem>>)
    %dma_wait3A_108 = tpu.memref_slice %arg4[%mul3A_87] : memref<819200xf32, #tpu.memory_space<hbm>> -> memref<6400xf32, #tpu.memory_space<hbm>>
    %dma_wait3A_109 = tpu.memref_slice %arg4[%mul3A_87] : memref<819200xf32, #tpu.memory_space<hbm>> -> memref<6400xf32, #tpu.memory_space<hbm>>
    tpu.wait_dma2 semaphore(%arg15 : memref<!tpu.dma_semaphore, #tpu.memory_space<semaphore_mem>>) src(%arg9 : memref<6400xf32, #tpu.memory_space<vmem>>) dst(%dma_wait3A_109 : memref<6400xf32, #tpu.memory_space<hbm>>)
    %dma_wait3A_110 = tpu.memref_slice %arg4[%mul3A_105] : memref<819200xf32, #tpu.memory_space<hbm>> -> memref<6400xf32, #tpu.memory_space<hbm>>
    %dma_wait3A_111 = tpu.memref_slice %arg4[%mul3A_105] : memref<819200xf32, #tpu.memory_space<hbm>> -> memref<6400xf32, #tpu.memory_space<hbm>>
    tpu.wait_dma2 semaphore(%arg16 : memref<!tpu.dma_semaphore, #tpu.memory_space<semaphore_mem>>) src(%arg10 : memref<6400xf32, #tpu.memory_space<vmem>>) dst(%dma_wait3A_111 : memref<6400xf32, #tpu.memory_space<hbm>>)
    return
  }
}

module attributes {stable_mosaic.version = 14 : i64} {
  func.func @_dense_body(%arg0: i32, %arg1: memref<512x1xi32, #tpu.memory_space<vmem>>, %arg2: memref<512x1xi32, #tpu.memory_space<vmem>>, %arg3: memref<512x128xf32, #tpu.memory_space<vmem>>, %arg4: memref<512x128xf32, #tpu.memory_space<vmem>>, %arg5: memref<1024x128xf32, #tpu.memory_space<vmem>>, %arg6: memref<512x128xf32, #tpu.memory_space<vmem>>, %arg7: memref<512x128xf32, #tpu.memory_space<vmem>>, %arg8: memref<1x512xf32, #tpu.memory_space<vmem>>, %arg9: memref<1x512xf32, #tpu.memory_space<vmem>>, %arg10: memref<256x256xf32, #tpu.memory_space<vmem>>, %arg11: memref<1x256xf32, #tpu.memory_space<vmem>>, %arg12: memref<128x256xf32, #tpu.memory_space<vmem>>, %arg13: memref<1x128xf32, #tpu.memory_space<vmem>>, %arg14: memref<512x128xf32, #tpu.memory_space<vmem>>, %arg15: memref<512x128xf32, #tpu.memory_space<vmem>>, %arg16: memref<524288xf32, #tpu.memory_space<vmem>>) attributes {dimension_semantics = [#tpu.dimension_semantics<arbitrary>], iteration_bounds = array<i64: 8>, scalar_prefetch = 0 : i64, scratch_operands = 0 : i64, tpu.core_type = #tpu.core_type<tc>, window_params = [{transform_indices = @transform_0, window_bounds = array<i64: 512, 1>}, {transform_indices = @transform_1, window_bounds = array<i64: 512, 1>}, {transform_indices = @transform_2, window_bounds = array<i64: 512, 128>}, {transform_indices = @transform_3, window_bounds = array<i64: 512, 128>}, {pipeline_mode = #tpu.pipeline_mode<synchronous>, transform_indices = @transform_4, window_bounds = array<i64: 1024, 128>}, {pipeline_mode = #tpu.pipeline_mode<synchronous>, transform_indices = @transform_5, window_bounds = array<i64: 512, 128>}, {pipeline_mode = #tpu.pipeline_mode<synchronous>, transform_indices = @transform_6, window_bounds = array<i64: 512, 128>}, {pipeline_mode = #tpu.pipeline_mode<synchronous>, transform_indices = @transform_7, window_bounds = array<i64: 1, 512>}, {pipeline_mode = #tpu.pipeline_mode<synchronous>, transform_indices = @transform_8, window_bounds = array<i64: 1, 512>}, {pipeline_mode = #tpu.pipeline_mode<synchronous>, transform_indices = @transform_9, window_bounds = array<i64: 256, 256>}, {pipeline_mode = #tpu.pipeline_mode<synchronous>, transform_indices = @transform_10, window_bounds = array<i64: 1, 256>}, {pipeline_mode = #tpu.pipeline_mode<synchronous>, transform_indices = @transform_11, window_bounds = array<i64: 128, 256>}, {pipeline_mode = #tpu.pipeline_mode<synchronous>, transform_indices = @transform_12, window_bounds = array<i64: 1, 128>}, {transform_indices = @transform_13, window_bounds = array<i64: 512, 128>}, {transform_indices = @transform_14, window_bounds = array<i64: 512, 128>}, {transform_indices = @transform_15, window_bounds = array<i64: 524288>}]} {
    %iota3A = tpu.iota {dimensions = array<i32: 1>} : vector<512x1024xi32>
    %get3A = arith.constant 0 : index
    %get3A_0 = arith.constant 0 : index
    %get3A_1 = vector.load %arg5[%get3A, %get3A_0] : memref<1024x128xf32, #tpu.memory_space<vmem>>, vector<1024x128xf32>
    %convert_element_type3A = arith.truncf %get3A_1 : vector<1024x128xf32> to vector<1024x128xbf16>
    %get3A_2 = arith.constant 0 : index
    %get3A_3 = arith.constant 0 : index
    %get3A_4 = vector.load %arg6[%get3A_2, %get3A_3] : memref<512x128xf32, #tpu.memory_space<vmem>>, vector<512x128xf32>
    %convert_element_type3A_5 = arith.truncf %get3A_4 : vector<512x128xf32> to vector<512x128xbf16>
    %get3A_6 = arith.constant 0 : index
    %get3A_7 = arith.constant 0 : index
    %get3A_8 = vector.load %arg7[%get3A_6, %get3A_7] : memref<512x128xf32, #tpu.memory_space<vmem>>, vector<512x128xf32>
    %convert_element_type3A_9 = arith.truncf %get3A_8 : vector<512x128xf32> to vector<512x128xbf16>
    %get3A_10 = arith.constant 0 : index
    %get3A_11 = arith.constant 0 : index
    %get3A_12 = vector.load %arg10[%get3A_10, %get3A_11] : memref<256x256xf32, #tpu.memory_space<vmem>>, vector<256x256xf32>
    %convert_element_type3A_13 = arith.truncf %get3A_12 : vector<256x256xf32> to vector<256x256xbf16>
    %get3A_14 = arith.constant 0 : index
    %get3A_15 = arith.constant 0 : index
    %get3A_16 = vector.load %arg12[%get3A_14, %get3A_15] : memref<128x256xf32, #tpu.memory_space<vmem>>, vector<128x256xf32>
    %convert_element_type3A_17 = arith.truncf %get3A_16 : vector<128x256xf32> to vector<128x256xbf16>
    %get3A_18 = arith.constant 0 : index
    %get3A_19 = arith.constant 0 : index
    %get3A_20 = vector.load %arg1[%get3A_18, %get3A_19] : memref<512x1xi32, #tpu.memory_space<vmem>>, vector<512x1xi32>
    %eq3A = vector.broadcast %get3A_20 : vector<512x1xi32> to vector<512x1024xi32>
    %eq3A_21 = arith.cmpi eq, %eq3A, %iota3A : vector<512x1024xi32>
    %convert_element_type3A_22 = arith.extui %eq3A_21 : vector<512x1024xi1> to vector<512x1024xi32>
    %convert_element_type3A_23 = arith.sitofp %convert_element_type3A_22 : vector<512x1024xi32> to vector<512x1024xf32>
    %convert_element_type3A_24 = arith.truncf %convert_element_type3A_23 : vector<512x1024xf32> to vector<512x1024xbf16>
    %dot_general3A = arith.constant dense<0.000000e+00> : vector<512x128xf32>
    %dot_general3A_25 = tpu.matmul %convert_element_type3A_24, %convert_element_type3A, %dot_general3A {dimension_numbers = #tpu.dot_dimension_numbers<[1], [0], [0], [1], [0, 0, 1, 1], [], []>, transpose_lhs_hint = false} : vector<512x1024xbf16>, vector<1024x128xbf16>, vector<512x128xf32> -> vector<512x128xf32>
    %convert_element_type3A_26 = arith.truncf %dot_general3A_25 : vector<512x128xf32> to vector<512x128xbf16>
    %dot_general3A_27 = arith.constant dense<0.000000e+00> : vector<512x512xf32>
    %dot_general3A_28 = tpu.matmul %convert_element_type3A_26, %convert_element_type3A_5, %dot_general3A_27 {dimension_numbers = #tpu.dot_dimension_numbers<[1], [1], [0], [0], [0, 0, 1, 0], [], []>, transpose_lhs_hint = false} : vector<512x128xbf16>, vector<512x128xbf16>, vector<512x512xf32> -> vector<512x512xf32>
    %get3A_29 = arith.constant 0 : index
    %get3A_30 = arith.constant 0 : index
    %get3A_31 = vector.load %arg8[%get3A_29, %get3A_30] : memref<1x512xf32, #tpu.memory_space<vmem>>, vector<1x512xf32>
    %add3A = vector.broadcast %get3A_31 : vector<1x512xf32> to vector<512x512xf32>
    %add3A_32 = arith.addf %dot_general3A_28, %add3A : vector<512x512xf32>
    %get3A_33 = arith.constant 0 : index
    %get3A_34 = arith.constant 0 : index
    %get3A_35 = vector.load %arg3[%get3A_33, %get3A_34] : memref<512x128xf32, #tpu.memory_space<vmem>>, vector<512x128xf32>
    %convert_element_type3A_36 = arith.truncf %get3A_35 : vector<512x128xf32> to vector<512x128xbf16>
    %dot_general3A_37 = arith.constant dense<0.000000e+00> : vector<512x512xf32>
    %dot_general3A_38 = tpu.matmul %convert_element_type3A_36, %convert_element_type3A_9, %dot_general3A_37 {dimension_numbers = #tpu.dot_dimension_numbers<[1], [1], [0], [0], [0, 0, 1, 0], [], []>, transpose_lhs_hint = false} : vector<512x128xbf16>, vector<512x128xbf16>, vector<512x512xf32> -> vector<512x512xf32>
    %add3A_39 = arith.addf %add3A_32, %dot_general3A_38 : vector<512x512xf32>
    %get3A_40 = arith.constant 0 : index
    %get3A_41 = arith.constant 0 : index
    %get3A_42 = vector.load %arg9[%get3A_40, %get3A_41] : memref<1x512xf32, #tpu.memory_space<vmem>>, vector<1x512xf32>
    %add3A_43 = vector.broadcast %get3A_42 : vector<1x512xf32> to vector<512x512xf32>
    %add3A_44 = arith.addf %add3A_39, %add3A_43 : vector<512x512xf32>
    %slice3A = vector.extract_strided_slice %add3A_44 {offsets = [0, 0], sizes = [512, 128], strides = [1, 1]} : vector<512x512xf32> to vector<512x128xf32>
    %logistic3A = arith.negf %slice3A : vector<512x128xf32>
    %logistic3A_45 = math.exp %logistic3A : vector<512x128xf32>
    %logistic3A_46 = arith.constant 1.000000e+00 : f32
    %logistic3A_47 = vector.broadcast %logistic3A_46 : f32 to vector<512x128xf32>
    %logistic3A_48 = arith.addf %logistic3A_47, %logistic3A_45 : vector<512x128xf32>
    %logistic3A_49 = arith.divf %logistic3A_47, %logistic3A_48 : vector<512x128xf32>
    %slice3A_50 = vector.extract_strided_slice %add3A_44 {offsets = [0, 128], sizes = [512, 128], strides = [1, 1]} : vector<512x512xf32> to vector<512x128xf32>
    %logistic3A_51 = arith.negf %slice3A_50 : vector<512x128xf32>
    %logistic3A_52 = math.exp %logistic3A_51 : vector<512x128xf32>
    %logistic3A_53 = arith.constant 1.000000e+00 : f32
    %logistic3A_54 = vector.broadcast %logistic3A_53 : f32 to vector<512x128xf32>
    %logistic3A_55 = arith.addf %logistic3A_54, %logistic3A_52 : vector<512x128xf32>
    %logistic3A_56 = arith.divf %logistic3A_54, %logistic3A_55 : vector<512x128xf32>
    %slice3A_57 = vector.extract_strided_slice %add3A_44 {offsets = [0, 256], sizes = [512, 128], strides = [1, 1]} : vector<512x512xf32> to vector<512x128xf32>
    %tanh3A = math.tanh %slice3A_57 : vector<512x128xf32>
    %slice3A_58 = vector.extract_strided_slice %add3A_44 {offsets = [0, 384], sizes = [512, 128], strides = [1, 1]} : vector<512x512xf32> to vector<512x128xf32>
    %logistic3A_59 = arith.negf %slice3A_58 : vector<512x128xf32>
    %logistic3A_60 = math.exp %logistic3A_59 : vector<512x128xf32>
    %logistic3A_61 = arith.constant 1.000000e+00 : f32
    %logistic3A_62 = vector.broadcast %logistic3A_61 : f32 to vector<512x128xf32>
    %logistic3A_63 = arith.addf %logistic3A_62, %logistic3A_60 : vector<512x128xf32>
    %logistic3A_64 = arith.divf %logistic3A_62, %logistic3A_63 : vector<512x128xf32>
    %get3A_65 = arith.constant 0 : index
    %get3A_66 = arith.constant 0 : index
    %get3A_67 = vector.load %arg4[%get3A_65, %get3A_66] : memref<512x128xf32, #tpu.memory_space<vmem>>, vector<512x128xf32>
    %mul3A = arith.mulf %logistic3A_56, %get3A_67 : vector<512x128xf32>
    %mul3A_68 = arith.mulf %logistic3A_49, %tanh3A : vector<512x128xf32>
    %add3A_69 = arith.addf %mul3A, %mul3A_68 : vector<512x128xf32>
    %tanh3A_70 = math.tanh %add3A_69 : vector<512x128xf32>
    %mul3A_71 = arith.mulf %logistic3A_64, %tanh3A_70 : vector<512x128xf32>
    %get3A_72 = arith.constant 0 : index
    %get3A_73 = arith.constant 0 : index
    %get3A_74 = vector.load %arg2[%get3A_72, %get3A_73] : memref<512x1xi32, #tpu.memory_space<vmem>>, vector<512x1xi32>
    %eq3A_75 = vector.broadcast %get3A_74 : vector<512x1xi32> to vector<512x1024xi32>
    %eq3A_76 = arith.cmpi eq, %eq3A_75, %iota3A : vector<512x1024xi32>
    %convert_element_type3A_77 = arith.extui %eq3A_76 : vector<512x1024xi1> to vector<512x1024xi32>
    %convert_element_type3A_78 = arith.sitofp %convert_element_type3A_77 : vector<512x1024xi32> to vector<512x1024xf32>
    %convert_element_type3A_79 = arith.truncf %convert_element_type3A_78 : vector<512x1024xf32> to vector<512x1024xbf16>
    %dot_general3A_80 = arith.constant dense<0.000000e+00> : vector<512x128xf32>
    %dot_general3A_81 = tpu.matmul %convert_element_type3A_79, %convert_element_type3A, %dot_general3A_80 {dimension_numbers = #tpu.dot_dimension_numbers<[1], [0], [0], [1], [0, 0, 1, 1], [], []>, transpose_lhs_hint = false} : vector<512x1024xbf16>, vector<1024x128xbf16>, vector<512x128xf32> -> vector<512x128xf32>
    %convert_element_type3A_82 = arith.truncf %dot_general3A_81 : vector<512x128xf32> to vector<512x128xbf16>
    %convert_element_type3A_83 = arith.truncf %mul3A_71 : vector<512x128xf32> to vector<512x128xbf16>
    %concatenate3A = tpu.concatenate %convert_element_type3A_83, %convert_element_type3A_82 in 1 : vector<512x128xbf16>, vector<512x128xbf16> -> vector<512x256xbf16>
    %dot_general3A_84 = arith.constant dense<0.000000e+00> : vector<512x256xf32>
    %dot_general3A_85 = tpu.matmul %concatenate3A, %convert_element_type3A_13, %dot_general3A_84 {dimension_numbers = #tpu.dot_dimension_numbers<[1], [1], [0], [0], [0, 0, 1, 0], [], []>, transpose_lhs_hint = false} : vector<512x256xbf16>, vector<256x256xbf16>, vector<512x256xf32> -> vector<512x256xf32>
    %get3A_86 = arith.constant 0 : index
    %get3A_87 = arith.constant 0 : index
    %get3A_88 = vector.load %arg11[%get3A_86, %get3A_87] : memref<1x256xf32, #tpu.memory_space<vmem>>, vector<1x256xf32>
    %add3A_89 = vector.broadcast %get3A_88 : vector<1x256xf32> to vector<512x256xf32>
    %add3A_90 = arith.addf %dot_general3A_85, %add3A_89 : vector<512x256xf32>
    %max3A = arith.constant 0.000000e+00 : f32
    %max3A_91 = vector.broadcast %max3A : f32 to vector<512x256xf32>
    %max3A_92 = arith.maximumf %add3A_90, %max3A_91 : vector<512x256xf32>
    %convert_element_type3A_93 = arith.truncf %max3A_92 : vector<512x256xf32> to vector<512x256xbf16>
    %dot_general3A_94 = arith.constant dense<0.000000e+00> : vector<512x128xf32>
    %dot_general3A_95 = tpu.matmul %convert_element_type3A_93, %convert_element_type3A_17, %dot_general3A_94 {dimension_numbers = #tpu.dot_dimension_numbers<[1], [1], [0], [0], [0, 0, 1, 0], [], []>, transpose_lhs_hint = false} : vector<512x256xbf16>, vector<128x256xbf16>, vector<512x128xf32> -> vector<512x128xf32>
    %get3A_96 = arith.constant 0 : index
    %get3A_97 = arith.constant 0 : index
    %get3A_98 = vector.load %arg13[%get3A_96, %get3A_97] : memref<1x128xf32, #tpu.memory_space<vmem>>, vector<1x128xf32>
    %add3A_99 = vector.broadcast %get3A_98 : vector<1x128xf32> to vector<512x128xf32>
    %add3A_100 = arith.addf %dot_general3A_95, %add3A_99 : vector<512x128xf32>
    %max3A_101 = arith.constant 0.000000e+00 : f32
    %max3A_102 = vector.broadcast %max3A_101 : f32 to vector<512x128xf32>
    %max3A_103 = arith.maximumf %add3A_100, %max3A_102 : vector<512x128xf32>
    %swap3A = arith.constant 0 : index
    %swap3A_104 = arith.constant 0 : index
    %swap3A_105 = vector.load %arg14[%swap3A, %swap3A_104] : memref<512x128xf32, #tpu.memory_space<vmem>>, vector<512x128xf32>
    tpu.vector_store %arg14[%swap3A, %swap3A_104], %mul3A_71 {strides = array<i32>} : memref<512x128xf32, #tpu.memory_space<vmem>>, vector<512x128xf32>,
    %swap3A_106 = arith.constant 0 : index
    %swap3A_107 = arith.constant 0 : index
    %swap3A_108 = vector.load %arg15[%swap3A_106, %swap3A_107] : memref<512x128xf32, #tpu.memory_space<vmem>>, vector<512x128xf32>
    tpu.vector_store %arg15[%swap3A_106, %swap3A_107], %add3A_69 {strides = array<i32>} : memref<512x128xf32, #tpu.memory_space<vmem>>, vector<512x128xf32>,
    %get3A_109 = arith.constant 0 : index
    %get3A_110 = arith.constant 0 : index
    %get3A_111 = vector.load %arg5[%get3A_109, %get3A_110] : memref<1024x128xf32, #tpu.memory_space<vmem>>, vector<1024x128xf32>
    %dot_general3A_112 = arith.constant dense<0.000000e+00> : vector<512x1024xf32>
    %dot_general3A_113 = tpu.matmul %max3A_103, %get3A_111, %dot_general3A_112 {dimension_numbers = #tpu.dot_dimension_numbers<[1], [1], [0], [0], [0, 0, 1, 0], [], []>, precision = #tpu.contract_precision<fp32>, transpose_lhs_hint = false} : vector<512x128xf32>, vector<1024x128xf32>, vector<512x1024xf32> -> vector<512x1024xf32>
    %reshape3A = vector.shape_cast %dot_general3A_113 : vector<512x1024xf32> to vector<524288xf32>
    %swap3A_114 = arith.constant 0 : index
    %swap3A_115 = vector.load %arg16[%swap3A_114] : memref<524288xf32, #tpu.memory_space<vmem>>, vector<524288xf32>
    tpu.vector_store %arg16[%swap3A_114], %reshape3A {strides = array<i32>} : memref<524288xf32, #tpu.memory_space<vmem>>, vector<524288xf32>,
    return
  }
  func.func @transform_0(%arg0: i32) -> (i32, i32) {
    %c0_i32 = arith.constant 0 : i32
    %c0_i32_0 = arith.constant 0 : i32
    return %arg0, %c0_i32 : i32, i32
  }
  func.func @transform_1(%arg0: i32) -> (i32, i32) {
    %c0_i32 = arith.constant 0 : i32
    %c0_i32_0 = arith.constant 0 : i32
    return %arg0, %c0_i32 : i32, i32
  }
  func.func @transform_2(%arg0: i32) -> (i32, i32) {
    %c0_i32 = arith.constant 0 : i32
    %c0_i32_0 = arith.constant 0 : i32
    return %arg0, %c0_i32 : i32, i32
  }
  func.func @transform_3(%arg0: i32) -> (i32, i32) {
    %c0_i32 = arith.constant 0 : i32
    %c0_i32_0 = arith.constant 0 : i32
    return %arg0, %c0_i32 : i32, i32
  }
  func.func @transform_4(%arg0: i32) -> (i32, i32) {
    %c0_i32 = arith.constant 0 : i32
    %c0_i32_0 = arith.constant 0 : i32
    %c0_i32_1 = arith.constant 0 : i32
    return %c0_i32, %c0_i32_0 : i32, i32
  }
  func.func @transform_5(%arg0: i32) -> (i32, i32) {
    %c0_i32 = arith.constant 0 : i32
    %c0_i32_0 = arith.constant 0 : i32
    %c0_i32_1 = arith.constant 0 : i32
    return %c0_i32, %c0_i32_0 : i32, i32
  }
  func.func @transform_6(%arg0: i32) -> (i32, i32) {
    %c0_i32 = arith.constant 0 : i32
    %c0_i32_0 = arith.constant 0 : i32
    %c0_i32_1 = arith.constant 0 : i32
    return %c0_i32, %c0_i32_0 : i32, i32
  }
  func.func @transform_7(%arg0: i32) -> (i32, i32) {
    %c0_i32 = arith.constant 0 : i32
    %c0_i32_0 = arith.constant 0 : i32
    %c0_i32_1 = arith.constant 0 : i32
    return %c0_i32, %c0_i32_0 : i32, i32
  }
  func.func @transform_8(%arg0: i32) -> (i32, i32) {
    %c0_i32 = arith.constant 0 : i32
    %c0_i32_0 = arith.constant 0 : i32
    %c0_i32_1 = arith.constant 0 : i32
    return %c0_i32, %c0_i32_0 : i32, i32
  }
  func.func @transform_9(%arg0: i32) -> (i32, i32) {
    %c0_i32 = arith.constant 0 : i32
    %c0_i32_0 = arith.constant 0 : i32
    %c0_i32_1 = arith.constant 0 : i32
    return %c0_i32, %c0_i32_0 : i32, i32
  }
  func.func @transform_10(%arg0: i32) -> (i32, i32) {
    %c0_i32 = arith.constant 0 : i32
    %c0_i32_0 = arith.constant 0 : i32
    %c0_i32_1 = arith.constant 0 : i32
    return %c0_i32, %c0_i32_0 : i32, i32
  }
  func.func @transform_11(%arg0: i32) -> (i32, i32) {
    %c0_i32 = arith.constant 0 : i32
    %c0_i32_0 = arith.constant 0 : i32
    %c0_i32_1 = arith.constant 0 : i32
    return %c0_i32, %c0_i32_0 : i32, i32
  }
  func.func @transform_12(%arg0: i32) -> (i32, i32) {
    %c0_i32 = arith.constant 0 : i32
    %c0_i32_0 = arith.constant 0 : i32
    %c0_i32_1 = arith.constant 0 : i32
    return %c0_i32, %c0_i32_0 : i32, i32
  }
  func.func @transform_13(%arg0: i32) -> (i32, i32) {
    %c0_i32 = arith.constant 0 : i32
    %c0_i32_0 = arith.constant 0 : i32
    return %arg0, %c0_i32 : i32, i32
  }
  func.func @transform_14(%arg0: i32) -> (i32, i32) {
    %c0_i32 = arith.constant 0 : i32
    %c0_i32_0 = arith.constant 0 : i32
    return %arg0, %c0_i32 : i32, i32
  }
  func.func @transform_15(%arg0: i32) -> i32 {
    %c0_i32 = arith.constant 0 : i32
    return %arg0 : i32
  }
}

module attributes {stable_mosaic.version = 14 : i64} {
  func.func @_fin_body(%arg0: i32, %arg1: memref<512x200xf32, #tpu.memory_space<vmem>>, %arg2: memref<512x200xi32, #tpu.memory_space<vmem>>, %arg3: memref<512x200xf32, #tpu.memory_space<vmem>>, %arg4: memref<512x1xf32, #tpu.memory_space<vmem>>, %arg5: memref<512x200xf32, #tpu.memory_space<vmem>>, %arg6: memref<512x1xi32, #tpu.memory_space<vmem>>, %arg7: memref<512x1xi32, #tpu.memory_space<vmem>>) attributes {dimension_semantics = [#tpu.dimension_semantics<arbitrary>], iteration_bounds = array<i64: 8>, scalar_prefetch = 0 : i64, scratch_operands = 0 : i64, tpu.core_type = #tpu.core_type<tc>, window_params = [{transform_indices = @transform_0, window_bounds = array<i64: 512, 200>}, {transform_indices = @transform_1, window_bounds = array<i64: 512, 200>}, {transform_indices = @transform_2, window_bounds = array<i64: 512, 200>}, {transform_indices = @transform_3, window_bounds = array<i64: 512, 1>}, {transform_indices = @transform_4, window_bounds = array<i64: 512, 200>}, {transform_indices = @transform_5, window_bounds = array<i64: 512, 1>}, {transform_indices = @transform_6, window_bounds = array<i64: 512, 1>}]} {
    %get3A = arith.constant 0 : index
    %get3A_0 = arith.constant 0 : index
    %get3A_1 = vector.load %arg1[%get3A, %get3A_0] : memref<512x200xf32, #tpu.memory_space<vmem>>, vector<512x200xf32>
    %get3A_2 = arith.constant 0 : index
    %get3A_3 = arith.constant 0 : index
    %get3A_4 = vector.load %arg2[%get3A_2, %get3A_3] : memref<512x200xi32, #tpu.memory_space<vmem>>, vector<512x200xi32>
    %eq3A = arith.constant 0 : i32
    %eq3A_5 = vector.broadcast %eq3A : i32 to vector<512x200xi32>
    %eq3A_6 = arith.cmpi eq, %get3A_4, %eq3A_5 : vector<512x200xi32>
    %jit3A = arith.constant -9.999900e+04 : f32
    %broadcast_in_dim3A = vector.broadcast %jit3A : f32 to vector<512x200xf32>
    %select_n3A = arith.select %eq3A_6, %broadcast_in_dim3A, %get3A_1 : vector<512x200xi1>, vector<512x200xf32>
    %get3A_7 = arith.constant 0 : index
    %get3A_8 = arith.constant 0 : index
    %get3A_9 = vector.load %arg3[%get3A_7, %get3A_8] : memref<512x200xf32, #tpu.memory_space<vmem>>, vector<512x200xf32>
    %add3A = arith.addf %select_n3A, %get3A_9 : vector<512x200xf32>
    %iota3A = tpu.iota {dimensions = array<i32: 1>} : vector<512x200xi32>
    %reduce_max3A = arith.constant dense<0xFF800000> : vector<512xf32>
    %reduce_max3A_10 = vector.multi_reduction <maximumf>, %add3A, %reduce_max3A [1] : vector<512x200xf32> to vector<512xf32>
    %broadcast_in_dim3A_11 = vector.shape_cast %reduce_max3A_10 : vector<512xf32> to vector<512x1xf32>
    %eq3A_12 = vector.broadcast %broadcast_in_dim3A_11 : vector<512x1xf32> to vector<512x200xf32>
    %eq3A_13 = arith.cmpf oeq, %add3A, %eq3A_12 : vector<512x200xf32>
    %jit3A_14 = arith.constant 200 : i32
    %broadcast_in_dim3A_15 = vector.broadcast %jit3A_14 : i32 to vector<512x200xi32>
    %select_n3A_16 = arith.select %eq3A_13, %iota3A, %broadcast_in_dim3A_15 : vector<512x200xi1>, vector<512x200xi32>
    %reduce_min3A = arith.constant dense<2147483647> : vector<512xi32>
    %reduce_min3A_17 = vector.multi_reduction <minsi>, %select_n3A_16, %reduce_min3A [1] : vector<512x200xi32> to vector<512xi32>
    %broadcast_in_dim3A_18 = vector.shape_cast %reduce_min3A_17 : vector<512xi32> to vector<512x1xi32>
    %reduce_max3A_19 = arith.constant dense<0xFF800000> : vector<512xf32>
    %reduce_max3A_20 = vector.multi_reduction <maximumf>, %select_n3A, %reduce_max3A_19 [1] : vector<512x200xf32> to vector<512xf32>
    %broadcast_in_dim3A_21 = vector.shape_cast %reduce_max3A_20 : vector<512xf32> to vector<512x1xf32>
    %sub3A = vector.broadcast %broadcast_in_dim3A_21 : vector<512x1xf32> to vector<512x200xf32>
    %sub3A_22 = arith.subf %select_n3A, %sub3A : vector<512x200xf32>
    %exp3A = math.exp %sub3A_22 : vector<512x200xf32>
    %reduce_sum3A = arith.constant dense<0.000000e+00> : vector<512xf32>
    %reduce_sum3A_23 = vector.multi_reduction <add>, %exp3A, %reduce_sum3A [1] : vector<512x200xf32> to vector<512xf32>
    %broadcast_in_dim3A_24 = vector.shape_cast %reduce_sum3A_23 : vector<512xf32> to vector<512x1xf32>
    %log3A = math.log %broadcast_in_dim3A_24 : vector<512x1xf32>
    %sub3A_25 = vector.broadcast %log3A : vector<512x1xf32> to vector<512x200xf32>
    %sub3A_26 = arith.subf %sub3A_22, %sub3A_25 : vector<512x200xf32>
    %eq3A_27 = vector.broadcast %broadcast_in_dim3A_18 : vector<512x1xi32> to vector<512x200xi32>
    %eq3A_28 = arith.cmpi eq, %iota3A, %eq3A_27 : vector<512x200xi32>
    %jit3A_29 = arith.constant 0.000000e+00 : f32
    %broadcast_in_dim3A_30 = vector.broadcast %jit3A_29 : f32 to vector<512x200xf32>
    %select_n3A_31 = arith.select %eq3A_28, %sub3A_26, %broadcast_in_dim3A_30 : vector<512x200xi1>, vector<512x200xf32>
    %reduce_sum3A_32 = arith.constant dense<0.000000e+00> : vector<512xf32>
    %reduce_sum3A_33 = vector.multi_reduction <add>, %select_n3A_31, %reduce_sum3A_32 [1] : vector<512x200xf32> to vector<512xf32>
    %broadcast_in_dim3A_34 = vector.shape_cast %reduce_sum3A_33 : vector<512xf32> to vector<512x1xf32>
    %neg3A = arith.constant 0.000000e+00 : f32
    %neg3A_35 = vector.broadcast %neg3A : f32 to vector<512x1xf32>
    %neg3A_36 = arith.subf %neg3A_35, %broadcast_in_dim3A_34 : vector<512x1xf32>
    %swap3A = arith.constant 0 : index
    %swap3A_37 = arith.constant 0 : index
    %swap3A_38 = vector.load %arg4[%swap3A, %swap3A_37] : memref<512x1xf32, #tpu.memory_space<vmem>>, vector<512x1xf32>
    tpu.vector_store %arg4[%swap3A, %swap3A_37], %neg3A_36 {strides = array<i32>} : memref<512x1xf32, #tpu.memory_space<vmem>>, vector<512x1xf32>,
    %swap3A_39 = arith.constant 0 : index
    %swap3A_40 = arith.constant 0 : index
    %swap3A_41 = vector.load %arg5[%swap3A_39, %swap3A_40] : memref<512x200xf32, #tpu.memory_space<vmem>>, vector<512x200xf32>
    tpu.vector_store %arg5[%swap3A_39, %swap3A_40], %sub3A_26 {strides = array<i32>} : memref<512x200xf32, #tpu.memory_space<vmem>>, vector<512x200xf32>,
    %swap3A_42 = arith.constant 0 : index
    %swap3A_43 = arith.constant 0 : index
    %swap3A_44 = vector.load %arg6[%swap3A_42, %swap3A_43] : memref<512x1xi32, #tpu.memory_space<vmem>>, vector<512x1xi32>
    tpu.vector_store %arg6[%swap3A_42, %swap3A_43], %broadcast_in_dim3A_18 {strides = array<i32>} : memref<512x1xi32, #tpu.memory_space<vmem>>, vector<512x1xi32>,
    %jit3A_45 = arith.constant 0 : i32
    %broadcast_in_dim3A_46 = vector.broadcast %jit3A_45 : i32 to vector<512x200xi32>
    %select_n3A_47 = arith.select %eq3A_28, %get3A_4, %broadcast_in_dim3A_46 : vector<512x200xi1>, vector<512x200xi32>
    %reduce_sum3A_48 = arith.constant dense<0> : vector<512xi32>
    %reduce_sum3A_49 = vector.multi_reduction <add>, %select_n3A_47, %reduce_sum3A_48 [1] : vector<512x200xi32> to vector<512xi32>
    %broadcast_in_dim3A_50 = vector.shape_cast %reduce_sum3A_49 : vector<512xi32> to vector<512x1xi32>
    %swap3A_51 = arith.constant 0 : index
    %swap3A_52 = arith.constant 0 : index
    %swap3A_53 = vector.load %arg7[%swap3A_51, %swap3A_52] : memref<512x1xi32, #tpu.memory_space<vmem>>, vector<512x1xi32>
    tpu.vector_store %arg7[%swap3A_51, %swap3A_52], %broadcast_in_dim3A_50 {strides = array<i32>} : memref<512x1xi32, #tpu.memory_space<vmem>>, vector<512x1xi32>,
    return
  }
  func.func @transform_0(%arg0: i32) -> (i32, i32) {
    %c0_i32 = arith.constant 0 : i32
    %c0_i32_0 = arith.constant 0 : i32
    return %arg0, %c0_i32 : i32, i32
  }
  func.func @transform_1(%arg0: i32) -> (i32, i32) {
    %c0_i32 = arith.constant 0 : i32
    %c0_i32_0 = arith.constant 0 : i32
    return %arg0, %c0_i32 : i32, i32
  }
  func.func @transform_2(%arg0: i32) -> (i32, i32) {
    %c0_i32 = arith.constant 0 : i32
    %c0_i32_0 = arith.constant 0 : i32
    return %arg0, %c0_i32 : i32, i32
  }
  func.func @transform_3(%arg0: i32) -> (i32, i32) {
    %c0_i32 = arith.constant 0 : i32
    %c0_i32_0 = arith.constant 0 : i32
    return %arg0, %c0_i32 : i32, i32
  }
  func.func @transform_4(%arg0: i32) -> (i32, i32) {
    %c0_i32 = arith.constant 0 : i32
    %c0_i32_0 = arith.constant 0 : i32
    return %arg0, %c0_i32 : i32, i32
  }
  func.func @transform_5(%arg0: i32) -> (i32, i32) {
    %c0_i32 = arith.constant 0 : i32
    %c0_i32_0 = arith.constant 0 : i32
    return %arg0, %c0_i32 : i32, i32
  }
  func.func @transform_6(%arg0: i32) -> (i32, i32) {
    %c0_i32 = arith.constant 0 : i32
    %c0_i32_0 = arith.constant 0 : i32
    return %arg0, %c0_i32 : i32, i32
  }
}

</mosaic_0001>

<sc_bundles>
// kernel: kernel.5.cloned.1.call-start
scs
__scs_entry_jumppad:
0x0: {  	(pc) =	sbr.rel $0x88, $3  }
0x1: {  	(tag) =	ssettag $0x0;
	lr =	simm.s32 $0x1  }
0x2: {  	[smem:$0x3F93] =	sst lr;
	_ =	strace $0xD0000000  }
0x3: {  	_ = 	snop  }
0x4: {  	_ = 	snop  }
0x5: {  	_ = 	snop  }
0x6: {  	_ = 	snop  }
0x7: {  	_ = 	snop  }
__scs_overlays_trampoline_lowered:
0x8: {  	[smem:$0x3FA2] =	sst s0  }
0x9: {  	[smem:$0x3FA3] =	sst s1  }
0xa: {  	[smem:$0x3FA4] =	sst s2  }
0xb: {  	[smem:$0x3FA5] =	sst s3  }
0xc: {  	[smem:$0x3FA6] =	sst s4  }
0xd: {  	[smem:$0x3FA7] =	sst s5  }
0xe: {  	[smem:$0x3FA8] =	sst s6  }
0xf: {  	[smem:$0x3FA9] =	sst s7  }
0x10: {  	[smem:$0x3FAA] =	sst s8  }
0x11: {  	[smem:$0x3FAB] =	sst s9;
	s0 =	simm.s32 @!p0 $0x0  }
0x12: {  	s1 =	sld [smem:$0x3F91];
	s0 =	simm.s32 @p0 $0x1  }
0x13: {  	[smem:$0x3FAC] =	sst s0;
	s0 =	simm.s32 @!p1 $0x0  }
0x14: {  	s2 =	sld [smem:$0x3F90];
	s0 =	simm.s32 @p1 $0x1  }
0x15: {  	[smem:$0x3FAD] =	sst s0;
	s0 =	simm.s32 @!p2 $0x0  }
0x16: {  	s3 =	sld [smem:$0x3FDB];
	s0 =	simm.s32 @p2 $0x1  }
0x17: {  	s4 =	simm.s32 $0x1BF5;
	[smem:$0x3FAF] =	sst s0  }
0x18: {  	s0 =	sld [smem:$0x3F92];
	_ =	swait.ge [sflag:s4], $0x0  }
0x19: {  	s7 =	sld [smem:$0x3F93]  }
0x1a: {  	s8 =	sadd.s32 $0xFFFFE003, lr  }
0x1b: {  	s9 =	sadd.s32 $0xFFFFFEF7, lr;
	s5 =	simm.s32 $0xFFFFFFFF;
	p2 =	slt.u32 s8, $0xFFFFF086  }
0x1c: {  	p1 =	slt.u32 s9, $0xF7A;
	s5 =	simm.s32 @!p2 $0x0  }
0x1d: {  	s5 =	simm.s32 @p1 $0x1;
	p0 =	seq.s32 s7, s2  }
0x1e: {  	s7 =	smul.u32 @!p0 $0xF7A, s2;
	p2 =	seq.s32 @!p0 s5, $0x0  }
0x1f: {  	s9 =	smul.u32 $0xF7A, s1;
	s8 =	simm.s32 @!p0 $0x1BF5;
	p2 =	por !p2, p0  }
0x20: {  	[sflag:s8] =	ssyncset.s32 @!p0 $0xFFFFF086;
	s6 =	sadd.s32 @!p0 s3, s7;
	s7 =	simm.s32 @!p0 $0x108  }
0x21: {  	s3 =	sadd.s32 s3, s9;
	s6 =	sadd.s32 @!p0 $0x88, s6;
	s7 =	simm.s32 @p2 $0x1082  }
0x22: {  	[simem:s7], [sflag:s8] =	dma.local @!p0 [hbm:s6], $0xF7A  }
0x23: {  	s9 =	sor.u32 $0xD0000000, s2;
	s6 =	simm.s32 $0x108;
	_ =	swait.ge @!p0 [sflag:s8], $0x0  }
0x24: {  	s3 =	sadd.s32 $0x88, s3;
	s6 =	simm.s32 @!p1 $0x1082;
	[sflag:s4] =	ssyncset.s32 $0xFFFFF086  }
0x25: {  	[simem:s6], [sflag:s4] =	dma.local [hbm:s3], $0xF7A  }
0x26: {  	[smem:$0x3F93] =	sst s1;
	(tag) =	ssettag s2;
	_ =	strace s9  }
0x27: {  	s1 =	sld [smem:$0x3FA3]  }
0x28: {  	s2 =	sld [smem:$0x3FA4]  }
0x29: {  	s4 =	sld [smem:$0x3FA6]  }
0x2a: {  	p0 =	seq.s32 s5, $0x0;
	s5 =	sld [smem:$0x3FA7]  }
0x2b: {  	s6 =	sld [smem:$0x3FA8]  }
0x2c: {  	s7 =	sld [smem:$0x3FA9]  }
0x2d: {  	s3 =	simm.s32 $0x108;
	s8 =	sld [smem:$0x3FAA]  }
0x2e: {  	s3 =	simm.s32 @!p0 $0x1082;
	s9 =	sld [smem:$0x3FAB]  }
0x2f: {  	lr =	sadd.s32 s0, s3;
	s0 =	sld [smem:$0x3FA2]  }
0x30: {  	s3 =	sld [smem:$0x3FA5]  }
0x31: {  	[smem:$0x3FAE] =	sst s10  }
0x32: {  	s10 =	sld [smem:$0x3FAC];
	_ =	sdelay $0x3  }
0x33: {  	p0 =	seq.s32 s10, $0x1;
	s10 =	sld [smem:$0x3FAE];
	_ =	sdelay $0x3  }
0x34: {  	[smem:$0x3FAE] =	sst s10  }
0x35: {  	s10 =	sld [smem:$0x3FAD];
	_ =	sdelay $0x3  }
0x36: {  	p1 =	seq.s32 s10, $0x1;
	s10 =	sld [smem:$0x3FAE];
	_ =	sdelay $0x3  }
0x37: {  	[smem:$0x3FAE] =	sst s10  }
0x38: {  	s10 =	sld [smem:$0x3FAF]  }
0x39: {  	_ = 	snop;
	(pc) =	sbr.ind lr, $3  }
0x3a: {  	_ = 	snop  }
0x3b: {  	_ = 	snop  }
0x3c: {  	p2 =	seq.s32 s10, $0x1;
	s10 =	sld [smem:$0x3FAE]  }
0x3d: {  	_ =	shalt  }
0x3e: {  	_ =	shalt  }
0x3f: {  	_ =	shalt  }
0x40: {  	_ =	shalt  }
0x41: {  	_ =	shalt  }
0x42: {  	_ =	shalt  }
0x43: {  	_ =	shalt  }
0x44: {  	_ =	shalt  }
0x45: {  	_ =	shalt  }
0x46: {  	_ =	shalt  }
0x47: {  	_ =	shalt  }
0x48: {  	_ =	shalt  }
0x49: {  	_ =	shalt  }
0x4a: {  	_ =	shalt  }
0x4b: {  	_ =	shalt  }
0x4c: {  	_ =	shalt  }
0x4d: {  	_ =	shalt  }
0x4e: {  	_ =	shalt  }
0x4f: {  	_ =	shalt  }
0x50: {  	_ =	shalt  }
0x51: {  	_ =	shalt  }
0x52: {  	_ =	shalt  }
0x53: {  	_ =	shalt  }
0x54: {  	_ =	shalt  }
0x55: {  	_ =	shalt  }
0x56: {  	_ =	shalt  }
0x57: {  	_ =	shalt  }
0x58: {  	_ =	shalt  }
0x59: {  	_ =	shalt  }
0x5a: {  	_ =	shalt  }
0x5b: {  	_ =	shalt  }
0x5c: {  	_ =	shalt  }
0x5d: {  	_ =	shalt  }
0x5e: {  	_ =	shalt  }
0x5f: {  	_ =	shalt  }
0x60: {  	_ =	shalt  }
0x61: {  	_ =	shalt  }
0x62: {  	_ =	shalt  }
0x63: {  	_ =	shalt  }
0x64: {  	_ =	shalt  }
0x65: {  	_ =	shalt  }
0x66: {  	_ =	shalt  }
0x67: {  	_ =	shalt  }
0x68: {  	_ =	shalt  }
0x69: {  	_ =	shalt  }
0x6a: {  	_ =	shalt  }
0x6b: {  	_ =	shalt  }
0x6c: {  	_ =	shalt  }
0x6d: {  	_ =	shalt  }
0x6e: {  	_ =	shalt  }
0x6f: {  	_ =	shalt  }
0x70: {  	_ =	shalt  }
0x71: {  	_ =	shalt  }
0x72: {  	_ =	shalt  }
0x73: {  	_ =	shalt  }
0x74: {  	_ =	shalt  }
0x75: {  	_ =	shalt  }
0x76: {  	_ =	shalt  }
0x77: {  	_ =	shalt  }
0x78: {  	_ =	shalt  }
0x79: {  	_ =	shalt  }
0x7a: {  	_ =	shalt  }
0x7b: {  	_ =	shalt  }
0x7c: {  	_ =	shalt  }
0x7d: {  	_ =	shalt  }
0x7e: {  	_ =	shalt  }
0x7f: {  	_ =	shalt  }
0x80: {  	_ =	shalt  }
0x81: {  	_ =	shalt  }
0x82: {  	_ =	shalt  }
0x83: {  	_ =	shalt  }
0x84: {  	_ =	shalt  }
0x85: {  	_ =	shalt  }
0x86: {  	_ =	shalt  }
0x87: {  	_ =	shalt  }
.Lfunc_end0:
.L_simem_size_0:
called_computation_lowered:
.L_overlay_start_0:
0x88: {  	s2 =	sld [smem:$0x3FD9]  }
0x89: {  	s3 =	sld [smem:$0x3FFE];
	_ =	sdelay $0x1  }
0x8a: {  	s1 =	srdreg.scid  }
0x8b: {  	s0 =	sand.u32 $0x1, s1  }
0x8c: {  	s14 =	sshll.u32 s0, $0xA;
	s2 =	sadd.s32 s3, s2  }
0x8d: {  	s2 =	sadd.s32 s2, s14  }
0x8e: {  	[smem:$0x3FBA] =	sst s2  }
0x8f: {  	_ = 	snop  }
0x90: {  	s2 =	sld [smem:$0x3FD0];
	_ =	sdelay $0x2  }
0x91: {  	s15 =	simm.s32 $0xA;
	s4 =	simm.s32 $0x10  }
0x92: {  	[smem:s4], [sflag:s15] =	dma.local [hbm:s2], $0x1  }
0x93: {  	_ =	swait.eq [sflag:s15], $0x1  }
0x94: {  	[sflag:s15] =	ssyncset.done $0x0  }
0x95: {  	[sflag:s15] =	ssyncadd.s32 $0xFFFFFFFF  }
0x96: {  	s16 =	sld [smem:$0x11];
	(tm) =	ssettm $0x1  }
0x97: {  	s17 =	sld [smem:$0x3FFB];
	_ =	sdelay $0x3  }
0x98: {  	_ =	strace s17  }
0x99: {  	s3 =	sld [smem:$0x3FFC];
	_ =	sdelay $0x3  }
0x9a: {  	_ =	strace s3  }
0x9b: {  	s3 =	sld [smem:$0x3FFD];
	_ =	sdelay $0x3  }
0x9c: {  	_ =	strace s3  }
0x9d: {  	_ =	strace $0x8FFFFFFF  }
0x9e: {  	s18 =	sld [smem:$0x3FDB];
	_ =	sdelay $0x1  }
0x9f: {  	s19 =	simm.s32 $_scs_section_size  }
0xa0: {  	s5 =	simm.s32 $_size__tile_overlayer_lowered;
	s6 =	simm.s32 $_tile_overlayer_lowered  }
0xa1: {  	s22 =	simm.s32 $0x1BFF;
	s21 =	sshll.u32 s6, $0x1;
	s3 =	sadd.s32 s19, s18  }
0xa2: {  	s7 =	simm.s32 $0x0;
	s20 =	sshll.u32 s5, $0x1;
	s5 =	sadd.s32 s21, s3  }
0xa3: {  	[timem:s7], [sflag:s22] =	dma.local [hbm:s5], s20  }
0xa4: {  	_ =	swait.ge [sflag:s22], s20  }
0xa5: {  	s4 =	ssub.s32 $0x0, s20;
	[sflag:s22] =	ssyncset.done $0x0  }
0xa6: {  	[sflag:s22] =	ssyncadd.s32 s4;
	_ =	sdelay $0x1  }
0xa7: {  	s23 =	simm.s32 $0x1B8B  }
0xa8: {  	_ =	swait.ge [sflag:s23], $0x1  }
0xa9: {  	[sflag:s23] =	ssyncset.done $0x0  }
0xaa: {  	s25 =	simm.s32 $0x1B8E;
	s24 =	sld [smem:$0x3FFE];
	[sflag:s23] =	ssyncadd.s32 $0xFFFFFFFF  }
0xab: {  	s26 =	simm.s32 $execute0_lowered;
	[smem:$0x3FD2] =	sst s25  }
0xac: {  	s5 =	sshll.u32 s26, $0x1;
	_ =	strace $0x80000046;
	[dreg:$0x1] =	wrdreg $0xFFFFFFFF  }
0xad: {  	s28 =	simm.s32 $_size_execute0_lowered;
	s3 =	sadd.s32 s3, s5;
	[dreg:$0x0] =	wrdreg $0x0  }
0xae: {  	s5 =	sshll.u32 s28, $0x1;
	[dreg:$0x2] =	wrdreg s3  }
0xaf: {  	[dreg:$0x3] =	wrdreg s5  }
0xb0: {  	[dreg:$0x4] =	wrdreg $0xC0  }
0xb1: {  	_ =	task [dreg:s7], $0x5FFFF  }
0xb2: {  	[dreg:$0x1] =	wrdreg $0xFFFFFFFF  }
0xb3: {  	[dreg:$0x0] =	wrdreg $0x60  }
0xb4: {  	[dreg:$0x2] =	wrdreg s24  }
0xb5: {  	[dreg:$0x3] =	wrdreg s16  }
0xb6: {  	[dreg:$0x4] =	wrdreg $0x9  }
0xb7: {  	_ =	task.clear_ibuf [dreg:s7], $0x5FFFF;
	_ =	strace $0x90000046  }
0xb8: {  	s29 =	simm.s32 $0x9;
	_ =	strace $0x80000048  }
0xb9: {  	_ =	swait.ge [sflag:s29], $0x1  }
0xba: {  	[sflag:s29] =	ssyncadd.s32 $0xFFFFFFFF  }
0xbb: {  	_ =	strace $0x90000048  }
0xbc: {  	_ =	sfence  }
0xbd: {  	s30 =	sld [smem:$0x0];
	_ =	sdelay $0x2  }
0xbe: {  	s31 =	sshll.u32 s1, $0xD;
	s1 =	sshrl.u32 s1, $0x2  }
0xbf: {  	s3 =	sand.u32 $0x4000, s31;
	s1 =	sadd.s32 s1, s30  }
0xc0: {  	s0 =	sor.u32 s3, s0;
	s1 =	sshll.u32 s1, $0x11  }
0xc1: {  	s0 =	sor.u32 s1, s0  }
0xc2: {  	s0 =	sadd.s32 $0x8F2B, s0  }
0xc3: {  	[sflag:s0] =	ssyncadd.remote.s32 $0x1  }
0xc4: {  	_ =	sfence.sel $0xFFFF  }
0xc5: {  	[dreg:$0x0] =	wrdreg $0xFFFFFFFF;
	(pc) =	sbr.abs _section_cstart, $3  }
0xc6: {  	[dreg:$0x1] =	wrdreg $0xFFFFFFFF  }
0xc7: {  	_ =	task.clear_ibuf [dreg:s7], $0x2FFFF;
	_ =	strace $0x9FFFFFFF  }
0xc8: {  	(tm) =	ssettm $0x7FFFFFFF  }
0xc9: {  	_ =	shalt  }
tec
execute0_lowered:
.L_overlay_start_1:
0x0: {  	(tag) =	ssettag $0x1  }
0x1: {  	s0 =	rddreg [dreg:$0x0]  }
0x2: {  	s12 =	rddreg [dreg:$0x1];
	s2 =	simm.s32 $0x0;
	s3 =	srdreg.scid  }
0x3: {  	s1 =	stileid.u32;
	s17 =	simm.s32 $0x8000;
	s18 =	simm.s32 $0x11900  }
0x4: {  	s19 =	simm.s32 $0x1;
	s20 =	simm.s32 $0x3;
	s21 =	simm.s32 $0x13200  }
0x5: {  	s22 =	simm.s32 $0x2;
	s23 =	simm.s32 $0x4;
	s24 =	simm.s32 $0x14B00  }
0x6: {  	s25 =	simm.s32 $0x5;
	s28 =	simm.s32 $0x0;
	[smem:$0x7FF] =	sst s2  }
0x7: {  	s3 =	sand.u32 $0x1, s3;
	s5 =	sshll.u32 s1, $0x1;
	s11 =	sadd.s32 $0x1400, s0  }
0x8: {  	s0 =	sadd.s32 $0x81400, s0;
	s4 =	ssub.s32 $0x2, s3;
	s3 =	sor.u32 s3, s5  }
0x9: {  	_ =	strace $0x80000047;
	s6 =	sshrl.u32 s4, $0x1;
	s7 =	sshll.u32 s3, $0x7  }
0xa: {  	s26 =	sshll.u32 s3, $0xE;
	s8 =	smul.u32 $0xC80, s3;
	s15 =	ssub.s32 s4, s6  }
0xb: {  	s29 =	sor.u32 $0x20, s7;
	s3 =	sadd.s32 s11, s26;
	s9 =	sor.u32 $0x40, s7  }
0xc: {  	s14 =	sor.u32 $0x60, s7;
	s26 =	simm.s32 $0x6;
	s10 =	smul.u32 $0x19, s29  }
0xd: {  	s30 =	sshll.u32 s29, $0x7;
	s4 =	sadd.s32 s12, s8;
	s13 =	smul.u32 $0x19, s9  }
0xe: {  	s7 =	sadd.s32 s0, s8;
	s31 =	sshll.u32 s9, $0x7;
	s16 =	smul.u32 $0x19, s14  }
0xf: {  	s14 =	sshll.u32 s14, $0x7;
	s15 =	smax.u32 s15, $0x1;
	s5 =	sadd.s32 s11, s30  }
0x10: {  	s8 =	sadd.s32 s11, s31;
	s11 =	sadd.s32 s11, s14;
	s6 =	sadd.s32 s12, s10  }
0x11: {  	s9 =	sadd.s32 s12, s13;
	s10 =	sadd.s32 s0, s10;
	s12 =	sadd.s32 s12, s16  }
0x12: {  	s13 =	sadd.s32 s0, s13;
	s14 =	sadd.s32 s0, s16;
	s16 =	simm.s32 $0x10000  }
.LBB2_1:
0x13: {  	[tilespmem:s2], [sflag:$0x1] =	stream.linear.gather [hbm4b:s3+s2], $0x8000, $0x38;
	[tilespmem:$0x16400] =	vst v63  }
0x14: {  	_ = 	snop  }
0x15: {  	[tilespmem:s16], [sflag:$0x3] =	stream.linear.gather [hbm4b:s4+s2], $0x1900, $0x38;
	[tilespmem:$0x16400] =	vst v63  }
0x16: {  	_ = 	snop  }
0x17: {  	[tilespmem:s17], [sflag:$0x2] =	stream.linear.gather [hbm4b:s5+s2], $0x8000, $0x38;
	[tilespmem:$0x16400] =	vst v63  }
0x18: {  	_ = 	snop  }
0x19: {  	[tilespmem:s18], [sflag:$0x4] =	stream.linear.gather [hbm4b:s6+s2], $0x1900, $0x38;
	[tilespmem:$0x16400] =	vst v63  }
0x1a: {  	_ =	swait.ge [sflag:s19], $0x8000  }
0x1b: {  	[sflag:s19] =	ssyncset.done $0x0  }
0x1c: {  	[sflag:s19] =	ssyncadd.s32 $0xFFFF8000  }
0x1d: {  	_ =	swait.ge [sflag:s20], $0x1900  }
0x1e: {  	s29 =	simm.s32 $0x10060;
	s30 =	simm.s32 $0x13260;
	[sflag:s20] =	ssyncset.done $0x0  }
0x1f: {  	s31 =	simm.s32 $0x0;
	s0 =	simm.s32 $0x0;
	[sflag:s20] =	ssyncadd.s32 $0xFFFFE700  }
.LBB2_2:
0x20: {  	v0 =	vld [tilespmem:s29+$0xFFFFFFA0];
	_ =	sdelay $0x4  }
0x21: {  	v0 =	vadd.s32 s31, v0;
	_ =	sdelay $0x4  }
0x22: {  	v0 =	vld.idx.msk [tilespmem:v0+s2+$0x0], $0xffff;
	_ =	sdelay $0x4  }
0x23: {  	[tilespmem:s30+$0xFFFFFFA0] =	vst v0  }
0x24: {  	v0 =	vld [tilespmem:s29+$0xFFFFFFB0];
	_ =	sdelay $0x4  }
0x25: {  	v0 =	vadd.s32 s31, v0;
	_ =	sdelay $0x4  }
0x26: {  	v0 =	vld.idx.msk [tilespmem:v0+s2+$0x0], $0xffff;
	_ =	sdelay $0x4  }
0x27: {  	[tilespmem:s30+$0xFFFFFFB0] =	vst v0  }
0x28: {  	v0 =	vld [tilespmem:s29+$0xFFFFFFC0];
	_ =	sdelay $0x4  }
0x29: {  	v0 =	vadd.s32 s31, v0;
	_ =	sdelay $0x4  }
0x2a: {  	v0 =	vld.idx.msk [tilespmem:v0+s2+$0x0], $0xffff;
	_ =	sdelay $0x4  }
0x2b: {  	[tilespmem:s30+$0xFFFFFFC0] =	vst v0  }
0x2c: {  	v0 =	vld [tilespmem:s29+$0xFFFFFFD0];
	_ =	sdelay $0x4  }
0x2d: {  	v0 =	vadd.s32 s31, v0;
	_ =	sdelay $0x4  }
0x2e: {  	v0 =	vld.idx.msk [tilespmem:v0+s2+$0x0], $0xffff;
	_ =	sdelay $0x4  }
0x2f: {  	[tilespmem:s30+$0xFFFFFFD0] =	vst v0  }
0x30: {  	v0 =	vld [tilespmem:s29+$0xFFFFFFE0];
	_ =	sdelay $0x4  }
0x31: {  	v0 =	vadd.s32 s31, v0;
	_ =	sdelay $0x4  }
0x32: {  	v0 =	vld.idx.msk [tilespmem:v0+s2+$0x0], $0xffff;
	_ =	sdelay $0x4  }
0x33: {  	[tilespmem:s30+$0xFFFFFFE0] =	vst v0  }
0x34: {  	v0 =	vld [tilespmem:s29+$0xFFFFFFF0];
	_ =	sdelay $0x4  }
0x35: {  	v0 =	vadd.s32 s31, v0;
	_ =	sdelay $0x4  }
0x36: {  	v0 =	vld.idx.msk [tilespmem:v0+s2+$0x0], $0xffff;
	_ =	sdelay $0x4  }
0x37: {  	[tilespmem:s30+$0xFFFFFFF0] =	vst v0  }
0x38: {  	v0 =	vld [tilespmem:s29+$0x0];
	_ =	sdelay $0x4  }
0x39: {  	v0 =	vadd.s32 s31, v0;
	_ =	sdelay $0x4  }
0x3a: {  	v0 =	vld.idx.msk [tilespmem:v0+s2+$0x0], $0xffff;
	_ =	sdelay $0x4  }
0x3b: {  	[tilespmem:s30+$0x0] =	vst v0  }
0x3c: {  	v0 =	vld [tilespmem:s29+$0x10];
	_ =	sdelay $0x4  }
0x3d: {  	v0 =	vadd.s32 s31, v0;
	_ =	sdelay $0x4  }
0x3e: {  	v0 =	vld.idx.msk [tilespmem:v0+s2+$0x0], $0xffff;
	_ =	sdelay $0x4  }
0x3f: {  	s1 =	sand.u32 $0x1FF8, s0;
	[tilespmem:s30+$0x10] =	vst v0  }
0x40: {  	v0 =	vld [tilespmem:s1+$0x10080];
	_ =	sdelay $0x4  }
0x41: {  	v0 =	vadd.s32 s31, v0;
	_ =	sdelay $0x4  }
0x42: {  	v0 =	vld.idx.msk [tilespmem:v0+s2+$0x0], $0xffff;
	_ =	sdelay $0x4  }
0x43: {  	[tilespmem:s1+$0x13280] =	vst v0  }
0x44: {  	v0 =	vld [tilespmem:s29+$0x30];
	_ =	sdelay $0x4  }
0x45: {  	v0 =	vadd.s32 s31, v0;
	_ =	sdelay $0x4  }
0x46: {  	v0 =	vld.idx.msk [tilespmem:v0+s2+$0x0], $0xffff;
	_ =	sdelay $0x4  }
0x47: {  	[tilespmem:s30+$0x30] =	vst v0  }
0x48: {  	v0 =	vld [tilespmem:s29+$0x40];
	_ =	sdelay $0x4  }
0x49: {  	v0 =	vadd.s32 s31, v0;
	_ =	sdelay $0x4  }
0x4a: {  	v0 =	vld.idx.msk [tilespmem:v0+s2+$0x0], $0xffff;
	_ =	sdelay $0x4  }
0x4b: {  	[tilespmem:s30+$0x40] =	vst v0  }
0x4c: {  	v0 =	vld [tilespmem:s29+$0x50];
	_ =	sdelay $0x4  }
0x4d: {  	v0 =	vadd.s32 s31, v0;
	_ =	sdelay $0x4  }
0x4e: {  	v0 =	vld.idx.msk [tilespmem:v0+s2+$0x0], $0xffff;
	_ =	sdelay $0x4  }
0x4f: {  	[tilespmem:s30+$0x50] =	vst v0  }
0x50: {  	v0 =	vld [tilespmem:s29+$0x58];
	_ =	sdelay $0x4  }
0x51: {  	v0 =	vadd.s32 s31, v0;
	_ =	sdelay $0x4  }
0x52: {  	p0 =	sne.s32 s0, $0x1838;
	v0 =	vld.idx.msk [tilespmem:v0+s2+$0x0], $0xffff  }
.Ltmp0:
0x53: {  	_ = 	snop;
	(pc) =	sbr.rel @p0 .LBB2_2-.Ltmp0, $3  }
0x54: {  	_ =	sdelay $0x1  }
0x55: {  	s0 =	sadd.s32 $0xC8, s0  }
0x56: {  	s29 =	sadd.s32 $0xC8, s29;
	s31 =	sadd.s32 $0x400, s31;
	[tilespmem:s30+$0x58] =	vst v0;
	s30 =	sadd.s32 $0xC8, s30  }
0x57: {  	s29 =	simm.s32 $0x0  }
0x58: {  	[hbm4b:s7+s29] =	stream.linear.scatter [tilespmem:s21], [sflag:$0x5], $0x1900, $0x38;
	[tilespmem:$0x16400] =	vst v63  }
0x59: {  	_ = 	snop  }
0x5a: {  	[tilespmem:s29], [sflag:$0x1] =	stream.linear.gather [hbm4b:s8+s29], $0x8000, $0x38;
	[tilespmem:$0x16400] =	vst v63  }
0x5b: {  	_ = 	snop  }
0x5c: {  	[tilespmem:s16], [sflag:$0x3] =	stream.linear.gather [hbm4b:s9+s29], $0x1900, $0x38;
	[tilespmem:$0x16400] =	vst v63  }
0x5d: {  	_ =	swait.ge [sflag:s22], $0x8000  }
0x5e: {  	[sflag:s22] =	ssyncset.done $0x0  }
0x5f: {  	[sflag:s22] =	ssyncadd.s32 $0xFFFF8000  }
0x60: {  	_ =	swait.ge [sflag:s23], $0x1900  }
0x61: {  	s30 =	simm.s32 $0x11960;
	[sflag:s23] =	ssyncset.done $0x0  }
0x62: {  	s31 =	simm.s32 $0x14B60;
	s0 =	simm.s32 $0x0;
	[sflag:s23] =	ssyncadd.s32 $0xFFFFE700  }
.LBB2_4:
0x63: {  	v0 =	vld [tilespmem:s30+$0xFFFFFFA0];
	_ =	sdelay $0x4  }
0x64: {  	v0 =	vadd.s32 s29, v0;
	_ =	sdelay $0x4  }
0x65: {  	v0 =	vld.idx.msk [tilespmem:v0+s17+$0x0], $0xffff;
	_ =	sdelay $0x4  }
0x66: {  	[tilespmem:s31+$0xFFFFFFA0] =	vst v0  }
0x67: {  	v0 =	vld [tilespmem:s30+$0xFFFFFFB0];
	_ =	sdelay $0x4  }
0x68: {  	v0 =	vadd.s32 s29, v0;
	_ =	sdelay $0x4  }
0x69: {  	v0 =	vld.idx.msk [tilespmem:v0+s17+$0x0], $0xffff;
	_ =	sdelay $0x4  }
0x6a: {  	[tilespmem:s31+$0xFFFFFFB0] =	vst v0  }
0x6b: {  	v0 =	vld [tilespmem:s30+$0xFFFFFFC0];
	_ =	sdelay $0x4  }
0x6c: {  	v0 =	vadd.s32 s29, v0;
	_ =	sdelay $0x4  }
0x6d: {  	v0 =	vld.idx.msk [tilespmem:v0+s17+$0x0], $0xffff;
	_ =	sdelay $0x4  }
0x6e: {  	[tilespmem:s31+$0xFFFFFFC0] =	vst v0  }
0x6f: {  	v0 =	vld [tilespmem:s30+$0xFFFFFFD0];
	_ =	sdelay $0x4  }
0x70: {  	v0 =	vadd.s32 s29, v0;
	_ =	sdelay $0x4  }
0x71: {  	v0 =	vld.idx.msk [tilespmem:v0+s17+$0x0], $0xffff;
	_ =	sdelay $0x4  }
0x72: {  	[tilespmem:s31+$0xFFFFFFD0] =	vst v0  }
0x73: {  	v0 =	vld [tilespmem:s30+$0xFFFFFFE0];
	_ =	sdelay $0x4  }
0x74: {  	v0 =	vadd.s32 s29, v0;
	_ =	sdelay $0x4  }
0x75: {  	v0 =	vld.idx.msk [tilespmem:v0+s17+$0x0], $0xffff;
	_ =	sdelay $0x4  }
0x76: {  	[tilespmem:s31+$0xFFFFFFE0] =	vst v0  }
0x77: {  	v0 =	vld [tilespmem:s30+$0xFFFFFFF0];
	_ =	sdelay $0x4  }
0x78: {  	v0 =	vadd.s32 s29, v0;
	_ =	sdelay $0x4  }
0x79: {  	v0 =	vld.idx.msk [tilespmem:v0+s17+$0x0], $0xffff;
	_ =	sdelay $0x4  }
0x7a: {  	[tilespmem:s31+$0xFFFFFFF0] =	vst v0  }
0x7b: {  	v0 =	vld [tilespmem:s30+$0x0];
	_ =	sdelay $0x4  }
0x7c: {  	v0 =	vadd.s32 s29, v0;
	_ =	sdelay $0x4  }
0x7d: {  	v0 =	vld.idx.msk [tilespmem:v0+s17+$0x0], $0xffff;
	_ =	sdelay $0x4  }
0x7e: {  	[tilespmem:s31+$0x0] =	vst v0  }
0x7f: {  	v0 =	vld [tilespmem:s30+$0x10];
	_ =	sdelay $0x4  }
0x80: {  	v0 =	vadd.s32 s29, v0;
	_ =	sdelay $0x4  }
0x81: {  	v0 =	vld.idx.msk [tilespmem:v0+s17+$0x0], $0xffff;
	_ =	sdelay $0x4  }
0x82: {  	s1 =	sand.u32 $0x1FF8, s0;
	[tilespmem:s31+$0x10] =	vst v0  }
0x83: {  	v0 =	vld [tilespmem:s1+$0x11980];
	_ =	sdelay $0x4  }
0x84: {  	v0 =	vadd.s32 s29, v0;
	_ =	sdelay $0x4  }
0x85: {  	v0 =	vld.idx.msk [tilespmem:v0+s17+$0x0], $0xffff;
	_ =	sdelay $0x4  }
0x86: {  	[tilespmem:s1+$0x14B80] =	vst v0  }
0x87: {  	v0 =	vld [tilespmem:s30+$0x30];
	_ =	sdelay $0x4  }
0x88: {  	v0 =	vadd.s32 s29, v0;
	_ =	sdelay $0x4  }
0x89: {  	v0 =	vld.idx.msk [tilespmem:v0+s17+$0x0], $0xffff;
	_ =	sdelay $0x4  }
0x8a: {  	[tilespmem:s31+$0x30] =	vst v0  }
0x8b: {  	v0 =	vld [tilespmem:s30+$0x40];
	_ =	sdelay $0x4  }
0x8c: {  	v0 =	vadd.s32 s29, v0;
	_ =	sdelay $0x4  }
0x8d: {  	v0 =	vld.idx.msk [tilespmem:v0+s17+$0x0], $0xffff;
	_ =	sdelay $0x4  }
0x8e: {  	[tilespmem:s31+$0x40] =	vst v0  }
0x8f: {  	v0 =	vld [tilespmem:s30+$0x50];
	_ =	sdelay $0x4  }
0x90: {  	v0 =	vadd.s32 s29, v0;
	_ =	sdelay $0x4  }
0x91: {  	v0 =	vld.idx.msk [tilespmem:v0+s17+$0x0], $0xffff;
	_ =	sdelay $0x4  }
0x92: {  	[tilespmem:s31+$0x50] =	vst v0  }
0x93: {  	v0 =	vld [tilespmem:s30+$0x58];
	_ =	sdelay $0x4  }
0x94: {  	v0 =	vadd.s32 s29, v0;
	_ =	sdelay $0x4  }
0x95: {  	p0 =	sne.s32 s0, $0x1838;
	v0 =	vld.idx.msk [tilespmem:v0+s17+$0x0], $0xffff  }
.Ltmp1:
0x96: {  	_ = 	snop;
	(pc) =	sbr.rel @p0 .LBB2_4-.Ltmp1, $3  }
0x97: {  	_ =	sdelay $0x1  }
0x98: {  	s0 =	sadd.s32 $0xC8, s0  }
0x99: {  	s30 =	sadd.s32 $0xC8, s30;
	s29 =	sadd.s32 $0x400, s29;
	[tilespmem:s31+$0x58] =	vst v0;
	s31 =	sadd.s32 $0xC8, s31  }
0x9a: {  	s29 =	simm.s32 $0x0  }
0x9b: {  	[hbm4b:s10+s29] =	stream.linear.scatter [tilespmem:s24], [sflag:$0x6], $0x1900, $0x38;
	[tilespmem:$0x16400] =	vst v63  }
0x9c: {  	_ = 	snop  }
0x9d: {  	[tilespmem:s17], [sflag:$0x2] =	stream.linear.gather [hbm4b:s11+s29], $0x8000, $0x38;
	[tilespmem:$0x16400] =	vst v63  }
0x9e: {  	_ = 	snop  }
0x9f: {  	[tilespmem:s18], [sflag:$0x4] =	stream.linear.gather [hbm4b:s12+s29], $0x1900, $0x38;
	[tilespmem:$0x16400] =	vst v63  }
0xa0: {  	_ =	swait.ge [sflag:s19], $0x8000  }
0xa1: {  	[sflag:s19] =	ssyncset.done $0x0  }
0xa2: {  	[sflag:s19] =	ssyncadd.s32 $0xFFFF8000  }
0xa3: {  	_ =	swait.ge [sflag:s20], $0x1900  }
0xa4: {  	[sflag:s20] =	ssyncset.done $0x0  }
0xa5: {  	[sflag:s20] =	ssyncadd.s32 $0xFFFFE700  }
0xa6: {  	_ =	swait.ge [sflag:s25], $0x1900  }
0xa7: {  	s30 =	simm.s32 $0x10060;
	[sflag:s25] =	ssyncset.done $0x0  }
0xa8: {  	s31 =	simm.s32 $0x13260;
	s0 =	simm.s32 $0x0;
	[sflag:s25] =	ssyncadd.s32 $0xFFFFE700  }
.LBB2_6:
0xa9: {  	v0 =	vld [tilespmem:s30+$0xFFFFFFA0];
	_ =	sdelay $0x4  }
0xaa: {  	v0 =	vadd.s32 s29, v0;
	_ =	sdelay $0x4  }
0xab: {  	v0 =	vld.idx.msk [tilespmem:v0+s2+$0x0], $0xffff;
	_ =	sdelay $0x4  }
0xac: {  	[tilespmem:s31+$0xFFFFFFA0] =	vst v0  }
0xad: {  	v0 =	vld [tilespmem:s30+$0xFFFFFFB0];
	_ =	sdelay $0x4  }
0xae: {  	v0 =	vadd.s32 s29, v0;
	_ =	sdelay $0x4  }
0xaf: {  	v0 =	vld.idx.msk [tilespmem:v0+s2+$0x0], $0xffff;
	_ =	sdelay $0x4  }
0xb0: {  	[tilespmem:s31+$0xFFFFFFB0] =	vst v0  }
0xb1: {  	v0 =	vld [tilespmem:s30+$0xFFFFFFC0];
	_ =	sdelay $0x4  }
0xb2: {  	v0 =	vadd.s32 s29, v0;
	_ =	sdelay $0x4  }
0xb3: {  	v0 =	vld.idx.msk [tilespmem:v0+s2+$0x0], $0xffff;
	_ =	sdelay $0x4  }
0xb4: {  	[tilespmem:s31+$0xFFFFFFC0] =	vst v0  }
0xb5: {  	v0 =	vld [tilespmem:s30+$0xFFFFFFD0];
	_ =	sdelay $0x4  }
0xb6: {  	v0 =	vadd.s32 s29, v0;
	_ =	sdelay $0x4  }
0xb7: {  	v0 =	vld.idx.msk [tilespmem:v0+s2+$0x0], $0xffff;
	_ =	sdelay $0x4  }
0xb8: {  	[tilespmem:s31+$0xFFFFFFD0] =	vst v0  }
0xb9: {  	v0 =	vld [tilespmem:s30+$0xFFFFFFE0];
	_ =	sdelay $0x4  }
0xba: {  	v0 =	vadd.s32 s29, v0;
	_ =	sdelay $0x4  }
0xbb: {  	v0 =	vld.idx.msk [tilespmem:v0+s2+$0x0], $0xffff;
	_ =	sdelay $0x4  }
0xbc: {  	[tilespmem:s31+$0xFFFFFFE0] =	vst v0  }
0xbd: {  	v0 =	vld [tilespmem:s30+$0xFFFFFFF0];
	_ =	sdelay $0x4  }
0xbe: {  	v0 =	vadd.s32 s29, v0;
	_ =	sdelay $0x4  }
0xbf: {  	v0 =	vld.idx.msk [tilespmem:v0+s2+$0x0], $0xffff;
	_ =	sdelay $0x4  }
0xc0: {  	[tilespmem:s31+$0xFFFFFFF0] =	vst v0  }
0xc1: {  	v0 =	vld [tilespmem:s30+$0x0];
	_ =	sdelay $0x4  }
0xc2: {  	v0 =	vadd.s32 s29, v0;
	_ =	sdelay $0x4  }
0xc3: {  	v0 =	vld.idx.msk [tilespmem:v0+s2+$0x0], $0xffff;
	_ =	sdelay $0x4  }
0xc4: {  	[tilespmem:s31+$0x0] =	vst v0  }
0xc5: {  	v0 =	vld [tilespmem:s30+$0x10];
	_ =	sdelay $0x4  }
0xc6: {  	v0 =	vadd.s32 s29, v0;
	_ =	sdelay $0x4  }
0xc7: {  	v0 =	vld.idx.msk [tilespmem:v0+s2+$0x0], $0xffff;
	_ =	sdelay $0x4  }
0xc8: {  	s1 =	sand.u32 $0x1FF8, s0;
	[tilespmem:s31+$0x10] =	vst v0  }
0xc9: {  	v0 =	vld [tilespmem:s1+$0x10080];
	_ =	sdelay $0x4  }
0xca: {  	v0 =	vadd.s32 s29, v0;
	_ =	sdelay $0x4  }
0xcb: {  	v0 =	vld.idx.msk [tilespmem:v0+s2+$0x0], $0xffff;
	_ =	sdelay $0x4  }
0xcc: {  	[tilespmem:s1+$0x13280] =	vst v0  }
0xcd: {  	v0 =	vld [tilespmem:s30+$0x30];
	_ =	sdelay $0x4  }
0xce: {  	v0 =	vadd.s32 s29, v0;
	_ =	sdelay $0x4  }
0xcf: {  	v0 =	vld.idx.msk [tilespmem:v0+s2+$0x0], $0xffff;
	_ =	sdelay $0x4  }
0xd0: {  	[tilespmem:s31+$0x30] =	vst v0  }
0xd1: {  	v0 =	vld [tilespmem:s30+$0x40];
	_ =	sdelay $0x4  }
0xd2: {  	v0 =	vadd.s32 s29, v0;
	_ =	sdelay $0x4  }
0xd3: {  	v0 =	vld.idx.msk [tilespmem:v0+s2+$0x0], $0xffff;
	_ =	sdelay $0x4  }
0xd4: {  	[tilespmem:s31+$0x40] =	vst v0  }
0xd5: {  	v0 =	vld [tilespmem:s30+$0x50];
	_ =	sdelay $0x4  }
0xd6: {  	v0 =	vadd.s32 s29, v0;
	_ =	sdelay $0x4  }
0xd7: {  	v0 =	vld.idx.msk [tilespmem:v0+s2+$0x0], $0xffff;
	_ =	sdelay $0x4  }
0xd8: {  	[tilespmem:s31+$0x50] =	vst v0  }
0xd9: {  	v0 =	vld [tilespmem:s30+$0x58];
	_ =	sdelay $0x4  }
0xda: {  	v0 =	vadd.s32 s29, v0;
	_ =	sdelay $0x4  }
0xdb: {  	p0 =	sne.s32 s0, $0x1838;
	v0 =	vld.idx.msk [tilespmem:v0+s2+$0x0], $0xffff  }
.Ltmp2:
0xdc: {  	_ = 	snop;
	(pc) =	sbr.rel @p0 .LBB2_6-.Ltmp2, $3  }
0xdd: {  	_ =	sdelay $0x1  }
0xde: {  	s0 =	sadd.s32 $0xC8, s0  }
0xdf: {  	s30 =	sadd.s32 $0xC8, s30;
	s29 =	sadd.s32 $0x400, s29;
	[tilespmem:s31+$0x58] =	vst v0;
	s31 =	sadd.s32 $0xC8, s31  }
0xe0: {  	s29 =	simm.s32 $0x0  }
0xe1: {  	[hbm4b:s13+s29] =	stream.linear.scatter [tilespmem:s21], [sflag:$0x5], $0x1900, $0x38;
	[tilespmem:$0x16400] =	vst v63  }
0xe2: {  	_ =	swait.ge [sflag:s22], $0x8000  }
0xe3: {  	[sflag:s22] =	ssyncset.done $0x0  }
0xe4: {  	[sflag:s22] =	ssyncadd.s32 $0xFFFF8000  }
0xe5: {  	_ =	swait.ge [sflag:s23], $0x1900  }
0xe6: {  	[sflag:s23] =	ssyncset.done $0x0  }
0xe7: {  	[sflag:s23] =	ssyncadd.s32 $0xFFFFE700  }
0xe8: {  	_ =	swait.ge [sflag:s26], $0x1900  }
0xe9: {  	s30 =	simm.s32 $0x11960;
	[sflag:s26] =	ssyncset.done $0x0  }
0xea: {  	s31 =	simm.s32 $0x14B60;
	s0 =	simm.s32 $0x0;
	[sflag:s26] =	ssyncadd.s32 $0xFFFFE700  }
.LBB2_8:
0xeb: {  	v0 =	vld [tilespmem:s30+$0xFFFFFFA0];
	_ =	sdelay $0x4  }
0xec: {  	v0 =	vadd.s32 s29, v0;
	_ =	sdelay $0x4  }
0xed: {  	v0 =	vld.idx.msk [tilespmem:v0+s17+$0x0], $0xffff;
	_ =	sdelay $0x4  }
0xee: {  	[tilespmem:s31+$0xFFFFFFA0] =	vst v0  }
0xef: {  	v0 =	vld [tilespmem:s30+$0xFFFFFFB0];
	_ =	sdelay $0x4  }
0xf0: {  	v0 =	vadd.s32 s29, v0;
	_ =	sdelay $0x4  }
0xf1: {  	v0 =	vld.idx.msk [tilespmem:v0+s17+$0x0], $0xffff;
	_ =	sdelay $0x4  }
0xf2: {  	[tilespmem:s31+$0xFFFFFFB0] =	vst v0  }
0xf3: {  	v0 =	vld [tilespmem:s30+$0xFFFFFFC0];
	_ =	sdelay $0x4  }
0xf4: {  	v0 =	vadd.s32 s29, v0;
	_ =	sdelay $0x4  }
0xf5: {  	v0 =	vld.idx.msk [tilespmem:v0+s17+$0x0], $0xffff;
	_ =	sdelay $0x4  }
0xf6: {  	[tilespmem:s31+$0xFFFFFFC0] =	vst v0  }
0xf7: {  	v0 =	vld [tilespmem:s30+$0xFFFFFFD0];
	_ =	sdelay $0x4  }
0xf8: {  	v0 =	vadd.s32 s29, v0;
	_ =	sdelay $0x4  }
0xf9: {  	v0 =	vld.idx.msk [tilespmem:v0+s17+$0x0], $0xffff;
	_ =	sdelay $0x4  }
0xfa: {  	[tilespmem:s31+$0xFFFFFFD0] =	vst v0  }
0xfb: {  	v0 =	vld [tilespmem:s30+$0xFFFFFFE0];
	_ =	sdelay $0x4  }
0xfc: {  	v0 =	vadd.s32 s29, v0;
	_ =	sdelay $0x4  }
0xfd: {  	v0 =	vld.idx.msk [tilespmem:v0+s17+$0x0], $0xffff;
	_ =	sdelay $0x4  }
0xfe: {  	[tilespmem:s31+$0xFFFFFFE0] =	vst v0  }
0xff: {  	v0 =	vld [tilespmem:s30+$0xFFFFFFF0];
	_ =	sdelay $0x4  }
0x100: {  	v0 =	vadd.s32 s29, v0;
	_ =	sdelay $0x4  }
0x101: {  	v0 =	vld.idx.msk [tilespmem:v0+s17+$0x0], $0xffff;
	_ =	sdelay $0x4  }
0x102: {  	[tilespmem:s31+$0xFFFFFFF0] =	vst v0  }
0x103: {  	v0 =	vld [tilespmem:s30+$0x0];
	_ =	sdelay $0x4  }
0x104: {  	v0 =	vadd.s32 s29, v0;
	_ =	sdelay $0x4  }
0x105: {  	v0 =	vld.idx.msk [tilespmem:v0+s17+$0x0], $0xffff;
	_ =	sdelay $0x4  }
0x106: {  	[tilespmem:s31+$0x0] =	vst v0  }
0x107: {  	v0 =	vld [tilespmem:s30+$0x10];
	_ =	sdelay $0x4  }
0x108: {  	v0 =	vadd.s32 s29, v0;
	_ =	sdelay $0x4  }
0x109: {  	v0 =	vld.idx.msk [tilespmem:v0+s17+$0x0], $0xffff;
	_ =	sdelay $0x4  }
0x10a: {  	s1 =	sand.u32 $0x1FF8, s0;
	[tilespmem:s31+$0x10] =	vst v0  }
0x10b: {  	v0 =	vld [tilespmem:s1+$0x11980];
	_ =	sdelay $0x4  }
0x10c: {  	v0 =	vadd.s32 s29, v0;
	_ =	sdelay $0x4  }
0x10d: {  	v0 =	vld.idx.msk [tilespmem:v0+s17+$0x0], $0xffff;
	_ =	sdelay $0x4  }
0x10e: {  	[tilespmem:s1+$0x14B80] =	vst v0  }
0x10f: {  	v0 =	vld [tilespmem:s30+$0x30];
	_ =	sdelay $0x4  }
0x110: {  	v0 =	vadd.s32 s29, v0;
	_ =	sdelay $0x4  }
0x111: {  	v0 =	vld.idx.msk [tilespmem:v0+s17+$0x0], $0xffff;
	_ =	sdelay $0x4  }
0x112: {  	[tilespmem:s31+$0x30] =	vst v0  }
0x113: {  	v0 =	vld [tilespmem:s30+$0x40];
	_ =	sdelay $0x4  }
0x114: {  	v0 =	vadd.s32 s29, v0;
	_ =	sdelay $0x4  }
0x115: {  	v0 =	vld.idx.msk [tilespmem:v0+s17+$0x0], $0xffff;
	_ =	sdelay $0x4  }
0x116: {  	[tilespmem:s31+$0x40] =	vst v0  }
0x117: {  	v0 =	vld [tilespmem:s30+$0x50];
	_ =	sdelay $0x4  }
0x118: {  	v0 =	vadd.s32 s29, v0;
	_ =	sdelay $0x4  }
0x119: {  	v0 =	vld.idx.msk [tilespmem:v0+s17+$0x0], $0xffff;
	_ =	sdelay $0x4  }
0x11a: {  	[tilespmem:s31+$0x50] =	vst v0  }
0x11b: {  	v0 =	vld [tilespmem:s30+$0x58];
	_ =	sdelay $0x4  }
0x11c: {  	v0 =	vadd.s32 s29, v0;
	_ =	sdelay $0x4  }
0x11d: {  	p0 =	sne.s32 s0, $0x1838;
	v0 =	vld.idx.msk [tilespmem:v0+s17+$0x0], $0xffff  }
.Ltmp3:
0x11e: {  	_ = 	snop;
	(pc) =	sbr.rel @p0 .LBB2_8-.Ltmp3, $3  }
0x11f: {  	_ =	sdelay $0x1  }
0x120: {  	s0 =	sadd.s32 $0xC8, s0  }
0x121: {  	s30 =	sadd.s32 $0xC8, s30;
	s29 =	sadd.s32 $0x400, s29;
	[tilespmem:s31+$0x58] =	vst v0;
	s31 =	sadd.s32 $0xC8, s31  }
0x122: {  	[hbm4b:s14+s2] =	stream.linear.scatter [tilespmem:s24], [sflag:$0x6], $0x1900, $0x38;
	[tilespmem:$0x16400] =	vst v63  }
0x123: {  	s28 =	sadd.s32 $0x1, s28  }
0x124: {  	_ =	swait.ge [sflag:s25], $0x1900;
	p0 =	sne.s32 s28, s15  }
.Ltmp4:
0x125: {  	[sflag:s25] =	ssyncset.done $0x0;
	(pc) =	sbr.rel @p0 .LBB2_1-.Ltmp4, $4  }
0x126: {  	[sflag:s25] =	ssyncadd.s32 $0xFFFFE700  }
0x127: {  	_ =	swait.ge [sflag:s26], $0x1900  }
0x128: {  	[sflag:s26] =	ssyncset.done $0x0  }
0x129: {  	[sflag:s26] =	ssyncadd.s32 $0xFFFFE700  }
0x12a: {  	_ =	sfence.sel $0x180000  }
0x12b: {  	[bflag:$0x0] =	sbarrier.arrive $0xFFFF  }
0x12c: {  	_ =	strace $0x90000047  }
0x12d: {  	s0 =	stileid.u32;
	[bflag:$0x2] =	sbarrier.arrive $0xFFFF  }
0x12e: {  	p0 =	sne.s32 s0, $0x0;
	s0 =	rddreg [dreg:$0x2]  }
0x12f: {  	s0 =	sadd.s32 @!p0 $0x100000, s0  }
0x130: {  	[sflag:s0] =	ssyncadd.tile.s32 @!p0 $0x1;
	_ =	shalt  }
.Lfunc_end2:
_tile_overlayer_lowered:
.L_overlay_start_2:
0x131: {  	(tag) =	ssettag $0x2  }
0x132: {  	s0 =	rddreg [dreg:$0x0];
	s2 =	stileid.u32  }
0x133: {  	s1 =	rddreg [dreg:$0x1];
	p0 =	sne.s32 s2, $0x0  }
0x134: {  	s3 =	rddreg [dreg:$0x2];
	[bflag:$0x3] =	sbarrier.arrive $0xFFFF;
	s2 =	simm.s32 @!p0 $0x1C07  }
0x135: {  	[timem:s3], [sflag:s2] =	dma.local @!p0 [hbm:s0], s1  }
0x136: {  	s0 =	simm.s32 @!p0 $0x7  }
0x137: {  	_ =	swait.ge @!p0 [sflag:s0], s1  }
0x138: {  	s1 =	ssub.s32 @!p0 $0x0, s1;
	[sflag:s0] =	ssyncset.done @!p0 $0x0  }
0x139: {  	[sflag:s0] =	ssyncadd.s32 @!p0 s1  }
0x13a: {  	[bflag:$0x3] =	sbarrier.arrive $0xFFFF  }
0x13b: {  	_ =	shalt  }

</sc_bundles>
